<compile_context>
chip_gen: v7x
topology: tpu7x:2x2x1
jax: 0.10.2.dev20260603
libtpu: 0.0.44.dev20260713+nightly
codegen_flags: <defaults>
</compile_context>

<pallas_src>
import functools

import jax
import jax.numpy as jnp
from jax import lax
from jax.experimental import pallas as pl
from jax.experimental.pallas import tpu as pltpu
from jax.experimental.pallas import tpu_sc as plsc

_NC = 2
_NS = 16
_NW = _NC * _NS
_CH = 128
_NBUF = 8


def _sc_gather(e2, idx3, n_rows, d):
    nch = idx3.shape[1]
    r_per_w = nch * _CH
    ng = nch // _NBUF
    mesh = plsc.VectorSubcoreMesh(
        core_axis_name="c", subcore_axis_name="s",
        num_cores=_NC, num_subcores=_NS)

    def body(e_hbm, idx_hbm, out_hbm, idx_v, rows_v, *sems):
        wid = lax.axis_index("s") * _NC + lax.axis_index("c")
        base = wid * r_per_w
        pltpu.sync_copy(idx_hbm.at[wid], idx_v)
        for b in range(_NBUF):
            pltpu.async_copy(e_hbm.at[idx_v.at[b]], rows_v.at[b], sems[b])

        def round_body(g, carry):
            for b in range(_NBUF):
                j = g * _NBUF + b
                pltpu.make_async_copy(
                    e_hbm.at[idx_v.at[b]], rows_v.at[b], sems[b]).wait()
                pltpu.sync_copy(
                    rows_v.at[b], out_hbm.at[pl.ds(base + j * _CH, _CH)])

                @pl.when(g < ng - 1)
                def _():
                    pltpu.async_copy(
                        e_hbm.at[idx_v.at[j + _NBUF]], rows_v.at[b], sems[b])
            return carry

        lax.fori_loop(0, ng, round_body, 0)

    run = pl.kernel(
        body,
        out_type=jax.ShapeDtypeStruct((n_rows, d), jnp.float32),
        mesh=mesh,
        scratch_types=(
            [pltpu.VMEM((nch, _CH), jnp.int32),
             pltpu.VMEM((_NBUF, _CH, d), jnp.float32)]
            + [pltpu.SemaphoreType.DMA] * _NBUF),
        compiler_params=pltpu.CompilerParams(use_tc_tiling_on_sc=False),
    )
    return run(e2, idx3)


def _mlp(x_num, emb, w1n, w1e, b1, w2, b2, w3, b3, wab, bab):
    bsz, num_dim = x_num.shape
    ed = emb.shape[1]
    h1, h2, h3 = w1e.shape[1], w2.shape[1], w3.shape[1]
    blk = 1024

    def body(xn, xe, w1n_r, w1e_r, b1_r, w2_r, b2_r, w3_r, b3_r, wab_r,
             bab_r, out):
        a = jnp.dot(xn[...], w1n_r[...], preferred_element_type=jnp.float32)
        a += jnp.dot(xe[...], w1e_r[...], preferred_element_type=jnp.float32)
        h = jnp.maximum(a + b1_r[...], 0.0)
        h = jnp.maximum(
            jnp.dot(h, w2_r[...], preferred_element_type=jnp.float32)
            + b2_r[...], 0.0)
        h = jnp.maximum(
            jnp.dot(h, w3_r[...], preferred_element_type=jnp.float32)
            + b3_r[...], 0.0)
        out[...] = (jnp.dot(h, wab_r[...], preferred_element_type=jnp.float32)
                    + bab_r[...])

    const = lambda i: (0, 0)
    return pl.pallas_call(
        body,
        grid=(bsz // blk,),
        in_specs=[
            pl.BlockSpec((blk, num_dim), lambda i: (i, 0)),
            pl.BlockSpec((blk, ed), lambda i: (i, 0)),
            pl.BlockSpec((num_dim, h1), const),
            pl.BlockSpec((ed, h1), const),
            pl.BlockSpec((1, h1), const),
            pl.BlockSpec((h1, h2), const),
            pl.BlockSpec((1, h2), const),
            pl.BlockSpec((h2, h3), const),
            pl.BlockSpec((1, h3), const),
            pl.BlockSpec((h3, 2), const),
            pl.BlockSpec((1, 2), const),
        ],
        out_specs=pl.BlockSpec((blk, 2), lambda i: (i, 0)),
        out_shape=jax.ShapeDtypeStruct((bsz, 2), jnp.float32),
    )(x_num, emb, w1n, w1e, b1, w2, b2, w3, b3, wab, bab)


def kernel(x_num, x_cat, E, W1, b1, W2, b2, W3, b3, WA, bA, WB, bB):
    bsz, num_dim = x_num.shape
    f = x_cat.shape[1]
    v, d = E.shape[1], E.shape[2]
    n_rows = bsz * f
    nch = n_rows // (_NW * _CH)

    offs = (jnp.arange(f, dtype=jnp.int32) * v)[None, :]
    idx3 = (x_cat + offs).reshape(_NW, nch, _CH)
    e2 = E.reshape(f * v, d)

    emb = _sc_gather(e2, idx3, n_rows, d).reshape(bsz, f * d)

    wab = jnp.concatenate([WA, WB], axis=1)
    bab = jnp.concatenate([bA, bB])[None, :]
    out = _mlp(x_num, emb, W1[:num_dim], W1[num_dim:], b1[None, :],
               W2, b2[None, :], W3, b3[None, :], wab, bab)
    return out[:, 0], out[:, 1]

# --- scband reference (transcript-rebuilt; emitter-appended) ---
"""Pipeline reference for scband-mtmlmodel-8744553415319 (READ-ONLY COPY).

The authoritative reference and input builder live on the scoring server;
editing this copy changes nothing except your own understanding.
"""

import jax, jax.numpy as jnp
import numpy as np

B = 16384
F = 26
V = 100000
D = 16
NUM_DIM = 13
HIDDEN = (256, 128, 64)


def setup_inputs(seed: int = 0) -> dict:
    key = jax.random.key(seed)
    ks = jax.random.split(key, 16)
    x_num = jax.random.normal(ks[0], (B, NUM_DIM), dtype=jnp.float32)
    x_cat = jax.random.randint(ks[1], (B, F), 0, V, dtype=jnp.int32)
    # Embedding tables: one per sparse field, all same vocab size -> stacked [F, V, D]
    E = jax.random.normal(ks[2], (F, V, D), dtype=jnp.float32) * 0.05
    in_dim = NUM_DIM + F * D  # 429
    dims = (in_dim,) + HIDDEN
    params = {}
    for li in range(len(HIDDEN)):
        i, o = dims[li], dims[li + 1]
        params['W%d' % (li + 1)] = jax.random.normal(ks[3 + 2 * li], (i, o), dtype=jnp.float32) * (1.0 / np.sqrt(i))
        params['b%d' % (li + 1)] = jnp.zeros((o,), dtype=jnp.float32)
    params['WA'] = jax.random.normal(ks[12], (HIDDEN[-1], 1), dtype=jnp.float32) * (1.0 / np.sqrt(HIDDEN[-1]))
    params['bA'] = jnp.zeros((1,), dtype=jnp.float32)
    params['WB'] = jax.random.normal(ks[13], (HIDDEN[-1], 1), dtype=jnp.float32) * (1.0 / np.sqrt(HIDDEN[-1]))
    params['bB'] = jnp.zeros((1,), dtype=jnp.float32)
    out = {'x_num': x_num, 'x_cat': x_cat, 'E': E}
    out.update(params)
    return out


def reference(x_num, x_cat, E, W1, b1, W2, b2, W3, b3, WA, bA, WB, bB):
    # embedding lookups, one table per sparse field
    emb_list = [jnp.take(E[i], x_cat[:, i], axis=0) for i in range(F)]
    x = jnp.concatenate([x_num] + emb_list, axis=1)
    # shared MLP (dropout is identity in eval mode)
    h = jax.nn.relu(x @ W1 + b1)
    h = jax.nn.relu(h @ W2 + b2)
    h = jax.nn.relu(h @ W3 + b3)
    outA = (h @ WA + bA)[:, 0]
    outB = (h @ WB + bB)[:, 0]
    return (outA, outB)

if __name__ == "__main__":
    import jax
    _d = setup_inputs()
    print(jax.jit(kernel)(*tuple(_d.values())))

</pallas_src>

<mosaic_0001>
#map = affine_map<(d0, d1) -> (0, 0)>
#map1 = affine_map<(d0, d1) -> (0, 0, 0)>
module attributes {stable_mosaic.version = 14 : i64} {
  func.func @body(%arg0: i32, %arg1: i32, %arg2: memref<2600000x16xf32, #tpu.memory_space<hbm>>, %arg3: memref<32x104x128xi32, #tpu.memory_space<hbm>>, %arg4: memref<425984x16xf32, #tpu.memory_space<hbm>>, %arg5: memref<104x128xi32, #tpu.memory_space<vmem>>, %arg6: memref<8x128x16xf32, #tpu.memory_space<vmem>>, %arg7: memref<!tpu.dma_semaphore, #tpu.memory_space<semaphore_mem>>, %arg8: memref<!tpu.dma_semaphore, #tpu.memory_space<semaphore_mem>>, %arg9: memref<!tpu.dma_semaphore, #tpu.memory_space<semaphore_mem>>, %arg10: memref<!tpu.dma_semaphore, #tpu.memory_space<semaphore_mem>>, %arg11: memref<!tpu.dma_semaphore, #tpu.memory_space<semaphore_mem>>, %arg12: memref<!tpu.dma_semaphore, #tpu.memory_space<semaphore_mem>>, %arg13: memref<!tpu.dma_semaphore, #tpu.memory_space<semaphore_mem>>, %arg14: memref<!tpu.dma_semaphore, #tpu.memory_space<semaphore_mem>>) attributes {dimension_semantics = [#tpu.dimension_semantics<core_parallel>, #tpu.dimension_semantics<subcore_parallel>], iteration_bounds = array<i64: 2, 16>, scalar_prefetch = 0 : i64, scratch_operands = 10 : i64, tpu.core_type = #tpu.core_type<sc_vector_subcore>, window_params = [{transform_indices = #map}, {transform_indices = #map1}, {transform_indices = #map}]} {
    %mul3A = arith.constant 2 : i32
    %mul3A_0 = arith.muli %arg1, %mul3A : i32
    %add3A = arith.addi %mul3A_0, %arg0 : i32
    %mul3A_1 = arith.constant 13312 : i32
    %mul3A_2 = arith.muli %add3A, %mul3A_1 : i32
    "tpu.region"() ({
      %run_scoped3A = tpu.sem_alloc : memref<!tpu.dma_semaphore, #tpu.memory_space<semaphore_mem>>
      %dma_start3A_103 = arith.constant 0 : i32
      %dma_start3A_104 = arith.constant 0 : i32
      %dma_start3A_105 = tpu.memref_slice %arg3[%add3A, %dma_start3A_103, %dma_start3A_104] : memref<32x104x128xi32, #tpu.memory_space<hbm>> -> memref<1x104x128xi32, #tpu.memory_space<hbm>>
      %dma_start3A_106 = tpu.memref_squeeze %dma_start3A_105 : memref<1x104x128xi32, #tpu.memory_space<hbm>> -> memref<104x128xi32, #tpu.memory_space<hbm>>
      %dma_start3A_107 = arith.constant 0 : i32
      %dma_start3A_108 = arith.constant 0 : i32
      %dma_start3A_109 = tpu.memref_slice %arg3[%add3A, %dma_start3A_107, %dma_start3A_108] : memref<32x104x128xi32, #tpu.memory_space<hbm>> -> memref<1x104x128xi32, #tpu.memory_space<hbm>>
      %dma_start3A_110 = tpu.memref_squeeze %dma_start3A_109 : memref<1x104x128xi32, #tpu.memory_space<hbm>> -> memref<104x128xi32, #tpu.memory_space<hbm>>
      tpu.enqueue_dma source(%dma_start3A_110 : memref<104x128xi32, #tpu.memory_space<hbm>>) target(%arg5 : memref<104x128xi32, #tpu.memory_space<vmem>>) target_semaphore(%run_scoped3A : memref<!tpu.dma_semaphore, #tpu.memory_space<semaphore_mem>>)
      %dma_wait3A = arith.constant 0 : i32
      %dma_wait3A_111 = arith.constant 0 : i32
      %dma_wait3A_112 = tpu.memref_slice %arg3[%add3A, %dma_wait3A, %dma_wait3A_111] : memref<32x104x128xi32, #tpu.memory_space<hbm>> -> memref<1x104x128xi32, #tpu.memory_space<hbm>>
      %dma_wait3A_113 = tpu.memref_squeeze %dma_wait3A_112 : memref<1x104x128xi32, #tpu.memory_space<hbm>> -> memref<104x128xi32, #tpu.memory_space<hbm>>
      %dma_wait3A_114 = arith.constant 0 : i32
      %dma_wait3A_115 = arith.constant 0 : i32
      %dma_wait3A_116 = tpu.memref_slice %arg3[%add3A, %dma_wait3A_114, %dma_wait3A_115] : memref<32x104x128xi32, #tpu.memory_space<hbm>> -> memref<1x104x128xi32, #tpu.memory_space<hbm>>
      %dma_wait3A_117 = tpu.memref_squeeze %dma_wait3A_116 : memref<1x104x128xi32, #tpu.memory_space<hbm>> -> memref<104x128xi32, #tpu.memory_space<hbm>>
      tpu.wait_dma2 semaphore(%run_scoped3A : memref<!tpu.dma_semaphore, #tpu.memory_space<semaphore_mem>>) src(%dma_wait3A_117 : memref<104x128xi32, #tpu.memory_space<hbm>>) dst(%arg5 : memref<104x128xi32, #tpu.memory_space<vmem>>)
      tpu.yield
    }) : () -> ()
    %dma_start3A = arith.constant 0 : i32
    %dma_start3A_3 = arith.constant 0 : i32
    %dma_start3A_4 = arith.constant 0 : i32
    %dma_start3A_5 = arith.constant 0 : i32
    %dma_start3A_6 = tpu.memref_slice %arg6[%dma_start3A_3, %dma_start3A_4, %dma_start3A_5] : memref<8x128x16xf32, #tpu.memory_space<vmem>> -> memref<1x128x16xf32, #tpu.memory_space<vmem>>
    %dma_start3A_7 = tpu.memref_squeeze %dma_start3A_6 : memref<1x128x16xf32, #tpu.memory_space<vmem>> -> memref<128x16xf32, #tpu.memory_space<vmem>>
    %dma_start3A_8 = arith.constant 0 : i32
    %dma_start3A_9 = tpu.memref_slice %arg5[%dma_start3A, %dma_start3A_8] : memref<104x128xi32, #tpu.memory_space<vmem>> -> memref<1x128xi32, #tpu.memory_space<vmem>>
    %dma_start3A_10 = tpu.memref_squeeze %dma_start3A_9 : memref<1x128xi32, #tpu.memory_space<vmem>> -> memref<128xi32, #tpu.memory_space<vmem>>
    %dma_start3A_11 = arith.constant 0 : i32
    %dma_start3A_12 = arith.constant 0 : i32
    %dma_start3A_13 = tpu.memref_slice %arg2[%dma_start3A_11, %dma_start3A_12] : memref<2600000x16xf32, #tpu.memory_space<hbm>> -> memref<2600000x16xf32, #tpu.memory_space<hbm>>
    tpu.enqueue_indirect_dma source(%dma_start3A_13 : memref<2600000x16xf32, #tpu.memory_space<hbm>>) target(%dma_start3A_7 : memref<128x16xf32, #tpu.memory_space<vmem>>) offsets(%dma_start3A_10 : memref<128xi32, #tpu.memory_space<vmem>>) semaphore(%arg7 : memref<!tpu.dma_semaphore, #tpu.memory_space<semaphore_mem>>)
    %dma_start3A_14 = arith.constant 1 : i32
    %dma_start3A_15 = arith.constant 1 : i32
    %dma_start3A_16 = arith.constant 0 : i32
    %dma_start3A_17 = arith.constant 0 : i32
    %dma_start3A_18 = tpu.memref_slice %arg6[%dma_start3A_15, %dma_start3A_16, %dma_start3A_17] : memref<8x128x16xf32, #tpu.memory_space<vmem>> -> memref<1x128x16xf32, #tpu.memory_space<vmem>>
    %dma_start3A_19 = tpu.memref_squeeze %dma_start3A_18 : memref<1x128x16xf32, #tpu.memory_space<vmem>> -> memref<128x16xf32, #tpu.memory_space<vmem>>
    %dma_start3A_20 = arith.constant 0 : i32
    %dma_start3A_21 = tpu.memref_slice %arg5[%dma_start3A_14, %dma_start3A_20] : memref<104x128xi32, #tpu.memory_space<vmem>> -> memref<1x128xi32, #tpu.memory_space<vmem>>
    %dma_start3A_22 = tpu.memref_squeeze %dma_start3A_21 : memref<1x128xi32, #tpu.memory_space<vmem>> -> memref<128xi32, #tpu.memory_space<vmem>>
    %dma_start3A_23 = arith.constant 0 : i32
    %dma_start3A_24 = arith.constant 0 : i32
    %dma_start3A_25 = tpu.memref_slice %arg2[%dma_start3A_23, %dma_start3A_24] : memref<2600000x16xf32, #tpu.memory_space<hbm>> -> memref<2600000x16xf32, #tpu.memory_space<hbm>>
    tpu.enqueue_indirect_dma source(%dma_start3A_25 : memref<2600000x16xf32, #tpu.memory_space<hbm>>) target(%dma_start3A_19 : memref<128x16xf32, #tpu.memory_space<vmem>>) offsets(%dma_start3A_22 : memref<128xi32, #tpu.memory_space<vmem>>) semaphore(%arg8 : memref<!tpu.dma_semaphore, #tpu.memory_space<semaphore_mem>>)
    %dma_start3A_26 = arith.constant 2 : i32
    %dma_start3A_27 = arith.constant 2 : i32
    %dma_start3A_28 = arith.constant 0 : i32
    %dma_start3A_29 = arith.constant 0 : i32
    %dma_start3A_30 = tpu.memref_slice %arg6[%dma_start3A_27, %dma_start3A_28, %dma_start3A_29] : memref<8x128x16xf32, #tpu.memory_space<vmem>> -> memref<1x128x16xf32, #tpu.memory_space<vmem>>
    %dma_start3A_31 = tpu.memref_squeeze %dma_start3A_30 : memref<1x128x16xf32, #tpu.memory_space<vmem>> -> memref<128x16xf32, #tpu.memory_space<vmem>>
    %dma_start3A_32 = arith.constant 0 : i32
    %dma_start3A_33 = tpu.memref_slice %arg5[%dma_start3A_26, %dma_start3A_32] : memref<104x128xi32, #tpu.memory_space<vmem>> -> memref<1x128xi32, #tpu.memory_space<vmem>>
    %dma_start3A_34 = tpu.memref_squeeze %dma_start3A_33 : memref<1x128xi32, #tpu.memory_space<vmem>> -> memref<128xi32, #tpu.memory_space<vmem>>
    %dma_start3A_35 = arith.constant 0 : i32
    %dma_start3A_36 = arith.constant 0 : i32
    %dma_start3A_37 = tpu.memref_slice %arg2[%dma_start3A_35, %dma_start3A_36] : memref<2600000x16xf32, #tpu.memory_space<hbm>> -> memref<2600000x16xf32, #tpu.memory_space<hbm>>
    tpu.enqueue_indirect_dma source(%dma_start3A_37 : memref<2600000x16xf32, #tpu.memory_space<hbm>>) target(%dma_start3A_31 : memref<128x16xf32, #tpu.memory_space<vmem>>) offsets(%dma_start3A_34 : memref<128xi32, #tpu.memory_space<vmem>>) semaphore(%arg9 : memref<!tpu.dma_semaphore, #tpu.memory_space<semaphore_mem>>)
    %dma_start3A_38 = arith.constant 3 : i32
    %dma_start3A_39 = arith.constant 3 : i32
    %dma_start3A_40 = arith.constant 0 : i32
    %dma_start3A_41 = arith.constant 0 : i32
    %dma_start3A_42 = tpu.memref_slice %arg6[%dma_start3A_39, %dma_start3A_40, %dma_start3A_41] : memref<8x128x16xf32, #tpu.memory_space<vmem>> -> memref<1x128x16xf32, #tpu.memory_space<vmem>>
    %dma_start3A_43 = tpu.memref_squeeze %dma_start3A_42 : memref<1x128x16xf32, #tpu.memory_space<vmem>> -> memref<128x16xf32, #tpu.memory_space<vmem>>
    %dma_start3A_44 = arith.constant 0 : i32
    %dma_start3A_45 = tpu.memref_slice %arg5[%dma_start3A_38, %dma_start3A_44] : memref<104x128xi32, #tpu.memory_space<vmem>> -> memref<1x128xi32, #tpu.memory_space<vmem>>
    %dma_start3A_46 = tpu.memref_squeeze %dma_start3A_45 : memref<1x128xi32, #tpu.memory_space<vmem>> -> memref<128xi32, #tpu.memory_space<vmem>>
    %dma_start3A_47 = arith.constant 0 : i32
    %dma_start3A_48 = arith.constant 0 : i32
    %dma_start3A_49 = tpu.memref_slice %arg2[%dma_start3A_47, %dma_start3A_48] : memref<2600000x16xf32, #tpu.memory_space<hbm>> -> memref<2600000x16xf32, #tpu.memory_space<hbm>>
    tpu.enqueue_indirect_dma source(%dma_start3A_49 : memref<2600000x16xf32, #tpu.memory_space<hbm>>) target(%dma_start3A_43 : memref<128x16xf32, #tpu.memory_space<vmem>>) offsets(%dma_start3A_46 : memref<128xi32, #tpu.memory_space<vmem>>) semaphore(%arg10 : memref<!tpu.dma_semaphore, #tpu.memory_space<semaphore_mem>>)
    %dma_start3A_50 = arith.constant 4 : i32
    %dma_start3A_51 = arith.constant 4 : i32
    %dma_start3A_52 = arith.constant 0 : i32
    %dma_start3A_53 = arith.constant 0 : i32
    %dma_start3A_54 = tpu.memref_slice %arg6[%dma_start3A_51, %dma_start3A_52, %dma_start3A_53] : memref<8x128x16xf32, #tpu.memory_space<vmem>> -> memref<1x128x16xf32, #tpu.memory_space<vmem>>
    %dma_start3A_55 = tpu.memref_squeeze %dma_start3A_54 : memref<1x128x16xf32, #tpu.memory_space<vmem>> -> memref<128x16xf32, #tpu.memory_space<vmem>>
    %dma_start3A_56 = arith.constant 0 : i32
    %dma_start3A_57 = tpu.memref_slice %arg5[%dma_start3A_50, %dma_start3A_56] : memref<104x128xi32, #tpu.memory_space<vmem>> -> memref<1x128xi32, #tpu.memory_space<vmem>>
    %dma_start3A_58 = tpu.memref_squeeze %dma_start3A_57 : memref<1x128xi32, #tpu.memory_space<vmem>> -> memref<128xi32, #tpu.memory_space<vmem>>
    %dma_start3A_59 = arith.constant 0 : i32
    %dma_start3A_60 = arith.constant 0 : i32
    %dma_start3A_61 = tpu.memref_slice %arg2[%dma_start3A_59, %dma_start3A_60] : memref<2600000x16xf32, #tpu.memory_space<hbm>> -> memref<2600000x16xf32, #tpu.memory_space<hbm>>
    tpu.enqueue_indirect_dma source(%dma_start3A_61 : memref<2600000x16xf32, #tpu.memory_space<hbm>>) target(%dma_start3A_55 : memref<128x16xf32, #tpu.memory_space<vmem>>) offsets(%dma_start3A_58 : memref<128xi32, #tpu.memory_space<vmem>>) semaphore(%arg11 : memref<!tpu.dma_semaphore, #tpu.memory_space<semaphore_mem>>)
    %dma_start3A_62 = arith.constant 5 : i32
    %dma_start3A_63 = arith.constant 5 : i32
    %dma_start3A_64 = arith.constant 0 : i32
    %dma_start3A_65 = arith.constant 0 : i32
    %dma_start3A_66 = tpu.memref_slice %arg6[%dma_start3A_63, %dma_start3A_64, %dma_start3A_65] : memref<8x128x16xf32, #tpu.memory_space<vmem>> -> memref<1x128x16xf32, #tpu.memory_space<vmem>>
    %dma_start3A_67 = tpu.memref_squeeze %dma_start3A_66 : memref<1x128x16xf32, #tpu.memory_space<vmem>> -> memref<128x16xf32, #tpu.memory_space<vmem>>
    %dma_start3A_68 = arith.constant 0 : i32
    %dma_start3A_69 = tpu.memref_slice %arg5[%dma_start3A_62, %dma_start3A_68] : memref<104x128xi32, #tpu.memory_space<vmem>> -> memref<1x128xi32, #tpu.memory_space<vmem>>
    %dma_start3A_70 = tpu.memref_squeeze %dma_start3A_69 : memref<1x128xi32, #tpu.memory_space<vmem>> -> memref<128xi32, #tpu.memory_space<vmem>>
    %dma_start3A_71 = arith.constant 0 : i32
    %dma_start3A_72 = arith.constant 0 : i32
    %dma_start3A_73 = tpu.memref_slice %arg2[%dma_start3A_71, %dma_start3A_72] : memref<2600000x16xf32, #tpu.memory_space<hbm>> -> memref<2600000x16xf32, #tpu.memory_space<hbm>>
    tpu.enqueue_indirect_dma source(%dma_start3A_73 : memref<2600000x16xf32, #tpu.memory_space<hbm>>) target(%dma_start3A_67 : memref<128x16xf32, #tpu.memory_space<vmem>>) offsets(%dma_start3A_70 : memref<128xi32, #tpu.memory_space<vmem>>) semaphore(%arg12 : memref<!tpu.dma_semaphore, #tpu.memory_space<semaphore_mem>>)
    %dma_start3A_74 = arith.constant 6 : i32
    %dma_start3A_75 = arith.constant 6 : i32
    %dma_start3A_76 = arith.constant 0 : i32
    %dma_start3A_77 = arith.constant 0 : i32
    %dma_start3A_78 = tpu.memref_slice %arg6[%dma_start3A_75, %dma_start3A_76, %dma_start3A_77] : memref<8x128x16xf32, #tpu.memory_space<vmem>> -> memref<1x128x16xf32, #tpu.memory_space<vmem>>
    %dma_start3A_79 = tpu.memref_squeeze %dma_start3A_78 : memref<1x128x16xf32, #tpu.memory_space<vmem>> -> memref<128x16xf32, #tpu.memory_space<vmem>>
    %dma_start3A_80 = arith.constant 0 : i32
    %dma_start3A_81 = tpu.memref_slice %arg5[%dma_start3A_74, %dma_start3A_80] : memref<104x128xi32, #tpu.memory_space<vmem>> -> memref<1x128xi32, #tpu.memory_space<vmem>>
    %dma_start3A_82 = tpu.memref_squeeze %dma_start3A_81 : memref<1x128xi32, #tpu.memory_space<vmem>> -> memref<128xi32, #tpu.memory_space<vmem>>
    %dma_start3A_83 = arith.constant 0 : i32
    %dma_start3A_84 = arith.constant 0 : i32
    %dma_start3A_85 = tpu.memref_slice %arg2[%dma_start3A_83, %dma_start3A_84] : memref<2600000x16xf32, #tpu.memory_space<hbm>> -> memref<2600000x16xf32, #tpu.memory_space<hbm>>
    tpu.enqueue_indirect_dma source(%dma_start3A_85 : memref<2600000x16xf32, #tpu.memory_space<hbm>>) target(%dma_start3A_79 : memref<128x16xf32, #tpu.memory_space<vmem>>) offsets(%dma_start3A_82 : memref<128xi32, #tpu.memory_space<vmem>>) semaphore(%arg13 : memref<!tpu.dma_semaphore, #tpu.memory_space<semaphore_mem>>)
    %dma_start3A_86 = arith.constant 7 : i32
    %dma_start3A_87 = arith.constant 7 : i32
    %dma_start3A_88 = arith.constant 0 : i32
    %dma_start3A_89 = arith.constant 0 : i32
    %dma_start3A_90 = tpu.memref_slice %arg6[%dma_start3A_87, %dma_start3A_88, %dma_start3A_89] : memref<8x128x16xf32, #tpu.memory_space<vmem>> -> memref<1x128x16xf32, #tpu.memory_space<vmem>>
    %dma_start3A_91 = tpu.memref_squeeze %dma_start3A_90 : memref<1x128x16xf32, #tpu.memory_space<vmem>> -> memref<128x16xf32, #tpu.memory_space<vmem>>
    %dma_start3A_92 = arith.constant 0 : i32
    %dma_start3A_93 = tpu.memref_slice %arg5[%dma_start3A_86, %dma_start3A_92] : memref<104x128xi32, #tpu.memory_space<vmem>> -> memref<1x128xi32, #tpu.memory_space<vmem>>
    %dma_start3A_94 = tpu.memref_squeeze %dma_start3A_93 : memref<1x128xi32, #tpu.memory_space<vmem>> -> memref<128xi32, #tpu.memory_space<vmem>>
    %dma_start3A_95 = arith.constant 0 : i32
    %dma_start3A_96 = arith.constant 0 : i32
    %dma_start3A_97 = tpu.memref_slice %arg2[%dma_start3A_95, %dma_start3A_96] : memref<2600000x16xf32, #tpu.memory_space<hbm>> -> memref<2600000x16xf32, #tpu.memory_space<hbm>>
    tpu.enqueue_indirect_dma source(%dma_start3A_97 : memref<2600000x16xf32, #tpu.memory_space<hbm>>) target(%dma_start3A_91 : memref<128x16xf32, #tpu.memory_space<vmem>>) offsets(%dma_start3A_94 : memref<128xi32, #tpu.memory_space<vmem>>) semaphore(%arg14 : memref<!tpu.dma_semaphore, #tpu.memory_space<semaphore_mem>>)
    %scan3A = arith.constant 0 : i32
    %scan3A_98 = arith.constant 0 : i32
    %scan3A_99 = arith.constant 13 : i32
    %scan3A_100 = arith.addi %scan3A_98, %scan3A_99 : i32
    %scan3A_101 = arith.constant 1 : i32
    scf.for %scan3A_103 = %scan3A_98 to %scan3A_100 step %scan3A_101  : i32 {
      %mul3A_104 = arith.constant 8 : i32
      %mul3A_105 = arith.muli %scan3A_103, %mul3A_104 : i32
      %add3A_106 = arith.constant 0 : i32
      %add3A_107 = arith.addi %mul3A_105, %add3A_106 : i32
      %dma_wait3A = arith.constant 0 : i32
      %dma_wait3A_108 = arith.constant 0 : i32
      %dma_wait3A_109 = arith.constant 0 : i32
      %dma_wait3A_110 = arith.constant 0 : i32
      %dma_wait3A_111 = tpu.memref_slice %arg6[%dma_wait3A_108, %dma_wait3A_109, %dma_wait3A_110] : memref<8x128x16xf32, #tpu.memory_space<vmem>> -> memref<1x128x16xf32, #tpu.memory_space<vmem>>
      %dma_wait3A_112 = tpu.memref_squeeze %dma_wait3A_111 : memref<1x128x16xf32, #tpu.memory_space<vmem>> -> memref<128x16xf32, #tpu.memory_space<vmem>>
      %dma_wait3A_113 = arith.constant 0 : i32
      %dma_wait3A_114 = tpu.memref_slice %arg5[%dma_wait3A, %dma_wait3A_113] : memref<104x128xi32, #tpu.memory_space<vmem>> -> memref<1x128xi32, #tpu.memory_space<vmem>>
      %dma_wait3A_115 = tpu.memref_squeeze %dma_wait3A_114 : memref<1x128xi32, #tpu.memory_space<vmem>> -> memref<128xi32, #tpu.memory_space<vmem>>
      %dma_wait3A_116 = arith.constant 0 : i32
      %dma_wait3A_117 = arith.constant 0 : i32
      %dma_wait3A_118 = tpu.memref_slice %arg2[%dma_wait3A_116, %dma_wait3A_117] : memref<2600000x16xf32, #tpu.memory_space<hbm>> -> memref<2600000x16xf32, #tpu.memory_space<hbm>>
      tpu.wait_indirect_dma semaphore(%arg7 : memref<!tpu.dma_semaphore, #tpu.memory_space<semaphore_mem>>) src(%dma_wait3A_118 : memref<2600000x16xf32, #tpu.memory_space<hbm>>) dst(%dma_wait3A_112 : memref<128x16xf32, #tpu.memory_space<vmem>>)
      %mul3A_119 = arith.constant 128 : i32
      %mul3A_120 = arith.muli %add3A_107, %mul3A_119 : i32
      %add3A_121 = arith.addi %mul3A_2, %mul3A_120 : i32
      %run_scoped3A = arith.constant 0 : i32
      "tpu.region"() ({
        %run_scoped3A_299 = tpu.sem_alloc : memref<!tpu.dma_semaphore, #tpu.memory_space<semaphore_mem>>
        %dma_start3A_300 = arith.constant 0 : i32
        %dma_start3A_301 = arith.constant 0 : i32
        %dma_start3A_302 = tpu.memref_slice %arg6[%run_scoped3A, %dma_start3A_300, %dma_start3A_301] : memref<8x128x16xf32, #tpu.memory_space<vmem>> -> memref<1x128x16xf32, #tpu.memory_space<vmem>>
        %dma_start3A_303 = tpu.memref_squeeze %dma_start3A_302 : memref<1x128x16xf32, #tpu.memory_space<vmem>> -> memref<128x16xf32, #tpu.memory_space<vmem>>
        %dma_start3A_304 = arith.constant 0 : i32
        %dma_start3A_305 = tpu.memref_slice %arg4[%add3A_121, %dma_start3A_304] : memref<425984x16xf32, #tpu.memory_space<hbm>> -> memref<128x16xf32, #tpu.memory_space<hbm>>
        %dma_start3A_306 = arith.constant 0 : i32
        %dma_start3A_307 = tpu.memref_slice %arg4[%add3A_121, %dma_start3A_306] : memref<425984x16xf32, #tpu.memory_space<hbm>> -> memref<128x16xf32, #tpu.memory_space<hbm>>
        %dma_start3A_308 = arith.constant 0 : i32
        %dma_start3A_309 = arith.constant 0 : i32
        %dma_start3A_310 = tpu.memref_slice %arg6[%run_scoped3A, %dma_start3A_308, %dma_start3A_309] : memref<8x128x16xf32, #tpu.memory_space<vmem>> -> memref<1x128x16xf32, #tpu.memory_space<vmem>>
        %dma_start3A_311 = tpu.memref_squeeze %dma_start3A_310 : memref<1x128x16xf32, #tpu.memory_space<vmem>> -> memref<128x16xf32, #tpu.memory_space<vmem>>
        tpu.enqueue_dma source(%dma_start3A_311 : memref<128x16xf32, #tpu.memory_space<vmem>>) target(%dma_start3A_307 : memref<128x16xf32, #tpu.memory_space<hbm>>) target_semaphore(%run_scoped3A_299 : memref<!tpu.dma_semaphore, #tpu.memory_space<semaphore_mem>>)
        %dma_wait3A_312 = arith.constant 0 : i32
        %dma_wait3A_313 = arith.constant 0 : i32
        %dma_wait3A_314 = tpu.memref_slice %arg6[%run_scoped3A, %dma_wait3A_312, %dma_wait3A_313] : memref<8x128x16xf32, #tpu.memory_space<vmem>> -> memref<1x128x16xf32, #tpu.memory_space<vmem>>
        %dma_wait3A_315 = tpu.memref_squeeze %dma_wait3A_314 : memref<1x128x16xf32, #tpu.memory_space<vmem>> -> memref<128x16xf32, #tpu.memory_space<vmem>>
        %dma_wait3A_316 = arith.constant 0 : i32
        %dma_wait3A_317 = tpu.memref_slice %arg4[%add3A_121, %dma_wait3A_316] : memref<425984x16xf32, #tpu.memory_space<hbm>> -> memref<128x16xf32, #tpu.memory_space<hbm>>
        %dma_wait3A_318 = arith.constant 0 : i32
        %dma_wait3A_319 = tpu.memref_slice %arg4[%add3A_121, %dma_wait3A_318] : memref<425984x16xf32, #tpu.memory_space<hbm>> -> memref<128x16xf32, #tpu.memory_space<hbm>>
        %dma_wait3A_320 = arith.constant 0 : i32
        %dma_wait3A_321 = arith.constant 0 : i32
        %dma_wait3A_322 = tpu.memref_slice %arg6[%run_scoped3A, %dma_wait3A_320, %dma_wait3A_321] : memref<8x128x16xf32, #tpu.memory_space<vmem>> -> memref<1x128x16xf32, #tpu.memory_space<vmem>>
        %dma_wait3A_323 = tpu.memref_squeeze %dma_wait3A_322 : memref<1x128x16xf32, #tpu.memory_space<vmem>> -> memref<128x16xf32, #tpu.memory_space<vmem>>
        tpu.wait_dma2 semaphore(%run_scoped3A_299 : memref<!tpu.dma_semaphore, #tpu.memory_space<semaphore_mem>>) src(%dma_wait3A_323 : memref<128x16xf32, #tpu.memory_space<vmem>>) dst(%dma_wait3A_319 : memref<128x16xf32, #tpu.memory_space<hbm>>)
        tpu.yield
      }) : () -> ()
      %lt3A = arith.constant 12 : i32
      %lt3A_122 = arith.cmpi slt, %scan3A_103, %lt3A : i32
      %convert_element_type3A = arith.extui %lt3A_122 : i1 to i32
      %cond3A = arith.constant 0 : i32
      %cond3A_123 = arith.cmpi ne, %convert_element_type3A, %cond3A : i32
      scf.if %cond3A_123 {
        %add3A_299 = arith.constant 8 : i32
        %add3A_300 = arith.addi %add3A_107, %add3A_299 : i32
        %dma_start3A_301 = arith.constant 0 : i32
        %dma_start3A_302 = arith.constant 0 : i32
        %dma_start3A_303 = arith.constant 0 : i32
        %dma_start3A_304 = tpu.memref_slice %arg6[%dma_start3A_301, %dma_start3A_302, %dma_start3A_303] : memref<8x128x16xf32, #tpu.memory_space<vmem>> -> memref<1x128x16xf32, #tpu.memory_space<vmem>>
        %dma_start3A_305 = tpu.memref_squeeze %dma_start3A_304 : memref<1x128x16xf32, #tpu.memory_space<vmem>> -> memref<128x16xf32, #tpu.memory_space<vmem>>
        %dma_start3A_306 = arith.constant 0 : i32
        %dma_start3A_307 = tpu.memref_slice %arg5[%add3A_300, %dma_start3A_306] : memref<104x128xi32, #tpu.memory_space<vmem>> -> memref<1x128xi32, #tpu.memory_space<vmem>>
        %dma_start3A_308 = tpu.memref_squeeze %dma_start3A_307 : memref<1x128xi32, #tpu.memory_space<vmem>> -> memref<128xi32, #tpu.memory_space<vmem>>
        %dma_start3A_309 = arith.constant 0 : i32
        %dma_start3A_310 = arith.constant 0 : i32
        %dma_start3A_311 = tpu.memref_slice %arg2[%dma_start3A_309, %dma_start3A_310] : memref<2600000x16xf32, #tpu.memory_space<hbm>> -> memref<2600000x16xf32, #tpu.memory_space<hbm>>
        tpu.enqueue_indirect_dma source(%dma_start3A_311 : memref<2600000x16xf32, #tpu.memory_space<hbm>>) target(%dma_start3A_305 : memref<128x16xf32, #tpu.memory_space<vmem>>) offsets(%dma_start3A_308 : memref<128xi32, #tpu.memory_space<vmem>>) semaphore(%arg7 : memref<!tpu.dma_semaphore, #tpu.memory_space<semaphore_mem>>)
      } else {
      }
      %mul3A_124 = arith.constant 8 : i32
      %mul3A_125 = arith.muli %scan3A_103, %mul3A_124 : i32
      %add3A_126 = arith.constant 1 : i32
      %add3A_127 = arith.addi %mul3A_125, %add3A_126 : i32
      %dma_wait3A_128 = arith.constant 1 : i32
      %dma_wait3A_129 = arith.constant 1 : i32
      %dma_wait3A_130 = arith.constant 0 : i32
      %dma_wait3A_131 = arith.constant 0 : i32
      %dma_wait3A_132 = tpu.memref_slice %arg6[%dma_wait3A_129, %dma_wait3A_130, %dma_wait3A_131] : memref<8x128x16xf32, #tpu.memory_space<vmem>> -> memref<1x128x16xf32, #tpu.memory_space<vmem>>
      %dma_wait3A_133 = tpu.memref_squeeze %dma_wait3A_132 : memref<1x128x16xf32, #tpu.memory_space<vmem>> -> memref<128x16xf32, #tpu.memory_space<vmem>>
      %dma_wait3A_134 = arith.constant 0 : i32
      %dma_wait3A_135 = tpu.memref_slice %arg5[%dma_wait3A_128, %dma_wait3A_134] : memref<104x128xi32, #tpu.memory_space<vmem>> -> memref<1x128xi32, #tpu.memory_space<vmem>>
      %dma_wait3A_136 = tpu.memref_squeeze %dma_wait3A_135 : memref<1x128xi32, #tpu.memory_space<vmem>> -> memref<128xi32, #tpu.memory_space<vmem>>
      %dma_wait3A_137 = arith.constant 0 : i32
      %dma_wait3A_138 = arith.constant 0 : i32
      %dma_wait3A_139 = tpu.memref_slice %arg2[%dma_wait3A_137, %dma_wait3A_138] : memref<2600000x16xf32, #tpu.memory_space<hbm>> -> memref<2600000x16xf32, #tpu.memory_space<hbm>>
      tpu.wait_indirect_dma semaphore(%arg8 : memref<!tpu.dma_semaphore, #tpu.memory_space<semaphore_mem>>) src(%dma_wait3A_139 : memref<2600000x16xf32, #tpu.memory_space<hbm>>) dst(%dma_wait3A_133 : memref<128x16xf32, #tpu.memory_space<vmem>>)
      %mul3A_140 = arith.constant 128 : i32
      %mul3A_141 = arith.muli %add3A_127, %mul3A_140 : i32
      %add3A_142 = arith.addi %mul3A_2, %mul3A_141 : i32
      %run_scoped3A_143 = arith.constant 1 : i32
      "tpu.region"() ({
        %run_scoped3A_299 = tpu.sem_alloc : memref<!tpu.dma_semaphore, #tpu.memory_space<semaphore_mem>>
        %dma_start3A_300 = arith.constant 0 : i32
        %dma_start3A_301 = arith.constant 0 : i32
        %dma_start3A_302 = tpu.memref_slice %arg6[%run_scoped3A_143, %dma_start3A_300, %dma_start3A_301] : memref<8x128x16xf32, #tpu.memory_space<vmem>> -> memref<1x128x16xf32, #tpu.memory_space<vmem>>
        %dma_start3A_303 = tpu.memref_squeeze %dma_start3A_302 : memref<1x128x16xf32, #tpu.memory_space<vmem>> -> memref<128x16xf32, #tpu.memory_space<vmem>>
        %dma_start3A_304 = arith.constant 0 : i32
        %dma_start3A_305 = tpu.memref_slice %arg4[%add3A_142, %dma_start3A_304] : memref<425984x16xf32, #tpu.memory_space<hbm>> -> memref<128x16xf32, #tpu.memory_space<hbm>>
        %dma_start3A_306 = arith.constant 0 : i32
        %dma_start3A_307 = tpu.memref_slice %arg4[%add3A_142, %dma_start3A_306] : memref<425984x16xf32, #tpu.memory_space<hbm>> -> memref<128x16xf32, #tpu.memory_space<hbm>>
        %dma_start3A_308 = arith.constant 0 : i32
        %dma_start3A_309 = arith.constant 0 : i32
        %dma_start3A_310 = tpu.memref_slice %arg6[%run_scoped3A_143, %dma_start3A_308, %dma_start3A_309] : memref<8x128x16xf32, #tpu.memory_space<vmem>> -> memref<1x128x16xf32, #tpu.memory_space<vmem>>
        %dma_start3A_311 = tpu.memref_squeeze %dma_start3A_310 : memref<1x128x16xf32, #tpu.memory_space<vmem>> -> memref<128x16xf32, #tpu.memory_space<vmem>>
        tpu.enqueue_dma source(%dma_start3A_311 : memref<128x16xf32, #tpu.memory_space<vmem>>) target(%dma_start3A_307 : memref<128x16xf32, #tpu.memory_space<hbm>>) target_semaphore(%run_scoped3A_299 : memref<!tpu.dma_semaphore, #tpu.memory_space<semaphore_mem>>)
        %dma_wait3A_312 = arith.constant 0 : i32
        %dma_wait3A_313 = arith.constant 0 : i32
        %dma_wait3A_314 = tpu.memref_slice %arg6[%run_scoped3A_143, %dma_wait3A_312, %dma_wait3A_313] : memref<8x128x16xf32, #tpu.memory_space<vmem>> -> memref<1x128x16xf32, #tpu.memory_space<vmem>>
        %dma_wait3A_315 = tpu.memref_squeeze %dma_wait3A_314 : memref<1x128x16xf32, #tpu.memory_space<vmem>> -> memref<128x16xf32, #tpu.memory_space<vmem>>
        %dma_wait3A_316 = arith.constant 0 : i32
        %dma_wait3A_317 = tpu.memref_slice %arg4[%add3A_142, %dma_wait3A_316] : memref<425984x16xf32, #tpu.memory_space<hbm>> -> memref<128x16xf32, #tpu.memory_space<hbm>>
        %dma_wait3A_318 = arith.constant 0 : i32
        %dma_wait3A_319 = tpu.memref_slice %arg4[%add3A_142, %dma_wait3A_318] : memref<425984x16xf32, #tpu.memory_space<hbm>> -> memref<128x16xf32, #tpu.memory_space<hbm>>
        %dma_wait3A_320 = arith.constant 0 : i32
        %dma_wait3A_321 = arith.constant 0 : i32
        %dma_wait3A_322 = tpu.memref_slice %arg6[%run_scoped3A_143, %dma_wait3A_320, %dma_wait3A_321] : memref<8x128x16xf32, #tpu.memory_space<vmem>> -> memref<1x128x16xf32, #tpu.memory_space<vmem>>
        %dma_wait3A_323 = tpu.memref_squeeze %dma_wait3A_322 : memref<1x128x16xf32, #tpu.memory_space<vmem>> -> memref<128x16xf32, #tpu.memory_space<vmem>>
        tpu.wait_dma2 semaphore(%run_scoped3A_299 : memref<!tpu.dma_semaphore, #tpu.memory_space<semaphore_mem>>) src(%dma_wait3A_323 : memref<128x16xf32, #tpu.memory_space<vmem>>) dst(%dma_wait3A_319 : memref<128x16xf32, #tpu.memory_space<hbm>>)
        tpu.yield
      }) : () -> ()
      %lt3A_144 = arith.constant 12 : i32
      %lt3A_145 = arith.cmpi slt, %scan3A_103, %lt3A_144 : i32
      %convert_element_type3A_146 = arith.extui %lt3A_145 : i1 to i32
      %cond3A_147 = arith.constant 0 : i32
      %cond3A_148 = arith.cmpi ne, %convert_element_type3A_146, %cond3A_147 : i32
      scf.if %cond3A_148 {
        %add3A_299 = arith.constant 8 : i32
        %add3A_300 = arith.addi %add3A_127, %add3A_299 : i32
        %dma_start3A_301 = arith.constant 1 : i32
        %dma_start3A_302 = arith.constant 0 : i32
        %dma_start3A_303 = arith.constant 0 : i32
        %dma_start3A_304 = tpu.memref_slice %arg6[%dma_start3A_301, %dma_start3A_302, %dma_start3A_303] : memref<8x128x16xf32, #tpu.memory_space<vmem>> -> memref<1x128x16xf32, #tpu.memory_space<vmem>>
        %dma_start3A_305 = tpu.memref_squeeze %dma_start3A_304 : memref<1x128x16xf32, #tpu.memory_space<vmem>> -> memref<128x16xf32, #tpu.memory_space<vmem>>
        %dma_start3A_306 = arith.constant 0 : i32
        %dma_start3A_307 = tpu.memref_slice %arg5[%add3A_300, %dma_start3A_306] : memref<104x128xi32, #tpu.memory_space<vmem>> -> memref<1x128xi32, #tpu.memory_space<vmem>>
        %dma_start3A_308 = tpu.memref_squeeze %dma_start3A_307 : memref<1x128xi32, #tpu.memory_space<vmem>> -> memref<128xi32, #tpu.memory_space<vmem>>
        %dma_start3A_309 = arith.constant 0 : i32
        %dma_start3A_310 = arith.constant 0 : i32
        %dma_start3A_311 = tpu.memref_slice %arg2[%dma_start3A_309, %dma_start3A_310] : memref<2600000x16xf32, #tpu.memory_space<hbm>> -> memref<2600000x16xf32, #tpu.memory_space<hbm>>
        tpu.enqueue_indirect_dma source(%dma_start3A_311 : memref<2600000x16xf32, #tpu.memory_space<hbm>>) target(%dma_start3A_305 : memref<128x16xf32, #tpu.memory_space<vmem>>) offsets(%dma_start3A_308 : memref<128xi32, #tpu.memory_space<vmem>>) semaphore(%arg8 : memref<!tpu.dma_semaphore, #tpu.memory_space<semaphore_mem>>)
      } else {
      }
      %mul3A_149 = arith.constant 8 : i32
      %mul3A_150 = arith.muli %scan3A_103, %mul3A_149 : i32
      %add3A_151 = arith.constant 2 : i32
      %add3A_152 = arith.addi %mul3A_150, %add3A_151 : i32
      %dma_wait3A_153 = arith.constant 2 : i32
      %dma_wait3A_154 = arith.constant 2 : i32
      %dma_wait3A_155 = arith.constant 0 : i32
      %dma_wait3A_156 = arith.constant 0 : i32
      %dma_wait3A_157 = tpu.memref_slice %arg6[%dma_wait3A_154, %dma_wait3A_155, %dma_wait3A_156] : memref<8x128x16xf32, #tpu.memory_space<vmem>> -> memref<1x128x16xf32, #tpu.memory_space<vmem>>
      %dma_wait3A_158 = tpu.memref_squeeze %dma_wait3A_157 : memref<1x128x16xf32, #tpu.memory_space<vmem>> -> memref<128x16xf32, #tpu.memory_space<vmem>>
      %dma_wait3A_159 = arith.constant 0 : i32
      %dma_wait3A_160 = tpu.memref_slice %arg5[%dma_wait3A_153, %dma_wait3A_159] : memref<104x128xi32, #tpu.memory_space<vmem>> -> memref<1x128xi32, #tpu.memory_space<vmem>>
      %dma_wait3A_161 = tpu.memref_squeeze %dma_wait3A_160 : memref<1x128xi32, #tpu.memory_space<vmem>> -> memref<128xi32, #tpu.memory_space<vmem>>
      %dma_wait3A_162 = arith.constant 0 : i32
      %dma_wait3A_163 = arith.constant 0 : i32
      %dma_wait3A_164 = tpu.memref_slice %arg2[%dma_wait3A_162, %dma_wait3A_163] : memref<2600000x16xf32, #tpu.memory_space<hbm>> -> memref<2600000x16xf32, #tpu.memory_space<hbm>>
      tpu.wait_indirect_dma semaphore(%arg9 : memref<!tpu.dma_semaphore, #tpu.memory_space<semaphore_mem>>) src(%dma_wait3A_164 : memref<2600000x16xf32, #tpu.memory_space<hbm>>) dst(%dma_wait3A_158 : memref<128x16xf32, #tpu.memory_space<vmem>>)
      %mul3A_165 = arith.constant 128 : i32
      %mul3A_166 = arith.muli %add3A_152, %mul3A_165 : i32
      %add3A_167 = arith.addi %mul3A_2, %mul3A_166 : i32
      %run_scoped3A_168 = arith.constant 2 : i32
      "tpu.region"() ({
        %run_scoped3A_299 = tpu.sem_alloc : memref<!tpu.dma_semaphore, #tpu.memory_space<semaphore_mem>>
        %dma_start3A_300 = arith.constant 0 : i32
        %dma_start3A_301 = arith.constant 0 : i32
        %dma_start3A_302 = tpu.memref_slice %arg6[%run_scoped3A_168, %dma_start3A_300, %dma_start3A_301] : memref<8x128x16xf32, #tpu.memory_space<vmem>> -> memref<1x128x16xf32, #tpu.memory_space<vmem>>
        %dma_start3A_303 = tpu.memref_squeeze %dma_start3A_302 : memref<1x128x16xf32, #tpu.memory_space<vmem>> -> memref<128x16xf32, #tpu.memory_space<vmem>>
        %dma_start3A_304 = arith.constant 0 : i32
        %dma_start3A_305 = tpu.memref_slice %arg4[%add3A_167, %dma_start3A_304] : memref<425984x16xf32, #tpu.memory_space<hbm>> -> memref<128x16xf32, #tpu.memory_space<hbm>>
        %dma_start3A_306 = arith.constant 0 : i32
        %dma_start3A_307 = tpu.memref_slice %arg4[%add3A_167, %dma_start3A_306] : memref<425984x16xf32, #tpu.memory_space<hbm>> -> memref<128x16xf32, #tpu.memory_space<hbm>>
        %dma_start3A_308 = arith.constant 0 : i32
        %dma_start3A_309 = arith.constant 0 : i32
        %dma_start3A_310 = tpu.memref_slice %arg6[%run_scoped3A_168, %dma_start3A_308, %dma_start3A_309] : memref<8x128x16xf32, #tpu.memory_space<vmem>> -> memref<1x128x16xf32, #tpu.memory_space<vmem>>
        %dma_start3A_311 = tpu.memref_squeeze %dma_start3A_310 : memref<1x128x16xf32, #tpu.memory_space<vmem>> -> memref<128x16xf32, #tpu.memory_space<vmem>>
        tpu.enqueue_dma source(%dma_start3A_311 : memref<128x16xf32, #tpu.memory_space<vmem>>) target(%dma_start3A_307 : memref<128x16xf32, #tpu.memory_space<hbm>>) target_semaphore(%run_scoped3A_299 : memref<!tpu.dma_semaphore, #tpu.memory_space<semaphore_mem>>)
        %dma_wait3A_312 = arith.constant 0 : i32
        %dma_wait3A_313 = arith.constant 0 : i32
        %dma_wait3A_314 = tpu.memref_slice %arg6[%run_scoped3A_168, %dma_wait3A_312, %dma_wait3A_313] : memref<8x128x16xf32, #tpu.memory_space<vmem>> -> memref<1x128x16xf32, #tpu.memory_space<vmem>>
        %dma_wait3A_315 = tpu.memref_squeeze %dma_wait3A_314 : memref<1x128x16xf32, #tpu.memory_space<vmem>> -> memref<128x16xf32, #tpu.memory_space<vmem>>
        %dma_wait3A_316 = arith.constant 0 : i32
        %dma_wait3A_317 = tpu.memref_slice %arg4[%add3A_167, %dma_wait3A_316] : memref<425984x16xf32, #tpu.memory_space<hbm>> -> memref<128x16xf32, #tpu.memory_space<hbm>>
        %dma_wait3A_318 = arith.constant 0 : i32
        %dma_wait3A_319 = tpu.memref_slice %arg4[%add3A_167, %dma_wait3A_318] : memref<425984x16xf32, #tpu.memory_space<hbm>> -> memref<128x16xf32, #tpu.memory_space<hbm>>
        %dma_wait3A_320 = arith.constant 0 : i32
        %dma_wait3A_321 = arith.constant 0 : i32
        %dma_wait3A_322 = tpu.memref_slice %arg6[%run_scoped3A_168, %dma_wait3A_320, %dma_wait3A_321] : memref<8x128x16xf32, #tpu.memory_space<vmem>> -> memref<1x128x16xf32, #tpu.memory_space<vmem>>
        %dma_wait3A_323 = tpu.memref_squeeze %dma_wait3A_322 : memref<1x128x16xf32, #tpu.memory_space<vmem>> -> memref<128x16xf32, #tpu.memory_space<vmem>>
        tpu.wait_dma2 semaphore(%run_scoped3A_299 : memref<!tpu.dma_semaphore, #tpu.memory_space<semaphore_mem>>) src(%dma_wait3A_323 : memref<128x16xf32, #tpu.memory_space<vmem>>) dst(%dma_wait3A_319 : memref<128x16xf32, #tpu.memory_space<hbm>>)
        tpu.yield
      }) : () -> ()
      %lt3A_169 = arith.constant 12 : i32
      %lt3A_170 = arith.cmpi slt, %scan3A_103, %lt3A_169 : i32
      %convert_element_type3A_171 = arith.extui %lt3A_170 : i1 to i32
      %cond3A_172 = arith.constant 0 : i32
      %cond3A_173 = arith.cmpi ne, %convert_element_type3A_171, %cond3A_172 : i32
      scf.if %cond3A_173 {
        %add3A_299 = arith.constant 8 : i32
        %add3A_300 = arith.addi %add3A_152, %add3A_299 : i32
        %dma_start3A_301 = arith.constant 2 : i32
        %dma_start3A_302 = arith.constant 0 : i32
        %dma_start3A_303 = arith.constant 0 : i32
        %dma_start3A_304 = tpu.memref_slice %arg6[%dma_start3A_301, %dma_start3A_302, %dma_start3A_303] : memref<8x128x16xf32, #tpu.memory_space<vmem>> -> memref<1x128x16xf32, #tpu.memory_space<vmem>>
        %dma_start3A_305 = tpu.memref_squeeze %dma_start3A_304 : memref<1x128x16xf32, #tpu.memory_space<vmem>> -> memref<128x16xf32, #tpu.memory_space<vmem>>
        %dma_start3A_306 = arith.constant 0 : i32
        %dma_start3A_307 = tpu.memref_slice %arg5[%add3A_300, %dma_start3A_306] : memref<104x128xi32, #tpu.memory_space<vmem>> -> memref<1x128xi32, #tpu.memory_space<vmem>>
        %dma_start3A_308 = tpu.memref_squeeze %dma_start3A_307 : memref<1x128xi32, #tpu.memory_space<vmem>> -> memref<128xi32, #tpu.memory_space<vmem>>
        %dma_start3A_309 = arith.constant 0 : i32
        %dma_start3A_310 = arith.constant 0 : i32
        %dma_start3A_311 = tpu.memref_slice %arg2[%dma_start3A_309, %dma_start3A_310] : memref<2600000x16xf32, #tpu.memory_space<hbm>> -> memref<2600000x16xf32, #tpu.memory_space<hbm>>
        tpu.enqueue_indirect_dma source(%dma_start3A_311 : memref<2600000x16xf32, #tpu.memory_space<hbm>>) target(%dma_start3A_305 : memref<128x16xf32, #tpu.memory_space<vmem>>) offsets(%dma_start3A_308 : memref<128xi32, #tpu.memory_space<vmem>>) semaphore(%arg9 : memref<!tpu.dma_semaphore, #tpu.memory_space<semaphore_mem>>)
      } else {
      }
      %mul3A_174 = arith.constant 8 : i32
      %mul3A_175 = arith.muli %scan3A_103, %mul3A_174 : i32
      %add3A_176 = arith.constant 3 : i32
      %add3A_177 = arith.addi %mul3A_175, %add3A_176 : i32
      %dma_wait3A_178 = arith.constant 3 : i32
      %dma_wait3A_179 = arith.constant 3 : i32
      %dma_wait3A_180 = arith.constant 0 : i32
      %dma_wait3A_181 = arith.constant 0 : i32
      %dma_wait3A_182 = tpu.memref_slice %arg6[%dma_wait3A_179, %dma_wait3A_180, %dma_wait3A_181] : memref<8x128x16xf32, #tpu.memory_space<vmem>> -> memref<1x128x16xf32, #tpu.memory_space<vmem>>
      %dma_wait3A_183 = tpu.memref_squeeze %dma_wait3A_182 : memref<1x128x16xf32, #tpu.memory_space<vmem>> -> memref<128x16xf32, #tpu.memory_space<vmem>>
      %dma_wait3A_184 = arith.constant 0 : i32
      %dma_wait3A_185 = tpu.memref_slice %arg5[%dma_wait3A_178, %dma_wait3A_184] : memref<104x128xi32, #tpu.memory_space<vmem>> -> memref<1x128xi32, #tpu.memory_space<vmem>>
      %dma_wait3A_186 = tpu.memref_squeeze %dma_wait3A_185 : memref<1x128xi32, #tpu.memory_space<vmem>> -> memref<128xi32, #tpu.memory_space<vmem>>
      %dma_wait3A_187 = arith.constant 0 : i32
      %dma_wait3A_188 = arith.constant 0 : i32
      %dma_wait3A_189 = tpu.memref_slice %arg2[%dma_wait3A_187, %dma_wait3A_188] : memref<2600000x16xf32, #tpu.memory_space<hbm>> -> memref<2600000x16xf32, #tpu.memory_space<hbm>>
      tpu.wait_indirect_dma semaphore(%arg10 : memref<!tpu.dma_semaphore, #tpu.memory_space<semaphore_mem>>) src(%dma_wait3A_189 : memref<2600000x16xf32, #tpu.memory_space<hbm>>) dst(%dma_wait3A_183 : memref<128x16xf32, #tpu.memory_space<vmem>>)
      %mul3A_190 = arith.constant 128 : i32
      %mul3A_191 = arith.muli %add3A_177, %mul3A_190 : i32
      %add3A_192 = arith.addi %mul3A_2, %mul3A_191 : i32
      %run_scoped3A_193 = arith.constant 3 : i32
      "tpu.region"() ({
        %run_scoped3A_299 = tpu.sem_alloc : memref<!tpu.dma_semaphore, #tpu.memory_space<semaphore_mem>>
        %dma_start3A_300 = arith.constant 0 : i32
        %dma_start3A_301 = arith.constant 0 : i32
        %dma_start3A_302 = tpu.memref_slice %arg6[%run_scoped3A_193, %dma_start3A_300, %dma_start3A_301] : memref<8x128x16xf32, #tpu.memory_space<vmem>> -> memref<1x128x16xf32, #tpu.memory_space<vmem>>
        %dma_start3A_303 = tpu.memref_squeeze %dma_start3A_302 : memref<1x128x16xf32, #tpu.memory_space<vmem>> -> memref<128x16xf32, #tpu.memory_space<vmem>>
        %dma_start3A_304 = arith.constant 0 : i32
        %dma_start3A_305 = tpu.memref_slice %arg4[%add3A_192, %dma_start3A_304] : memref<425984x16xf32, #tpu.memory_space<hbm>> -> memref<128x16xf32, #tpu.memory_space<hbm>>
        %dma_start3A_306 = arith.constant 0 : i32
        %dma_start3A_307 = tpu.memref_slice %arg4[%add3A_192, %dma_start3A_306] : memref<425984x16xf32, #tpu.memory_space<hbm>> -> memref<128x16xf32, #tpu.memory_space<hbm>>
        %dma_start3A_308 = arith.constant 0 : i32
        %dma_start3A_309 = arith.constant 0 : i32
        %dma_start3A_310 = tpu.memref_slice %arg6[%run_scoped3A_193, %dma_start3A_308, %dma_start3A_309] : memref<8x128x16xf32, #tpu.memory_space<vmem>> -> memref<1x128x16xf32, #tpu.memory_space<vmem>>
        %dma_start3A_311 = tpu.memref_squeeze %dma_start3A_310 : memref<1x128x16xf32, #tpu.memory_space<vmem>> -> memref<128x16xf32, #tpu.memory_space<vmem>>
        tpu.enqueue_dma source(%dma_start3A_311 : memref<128x16xf32, #tpu.memory_space<vmem>>) target(%dma_start3A_307 : memref<128x16xf32, #tpu.memory_space<hbm>>) target_semaphore(%run_scoped3A_299 : memref<!tpu.dma_semaphore, #tpu.memory_space<semaphore_mem>>)
        %dma_wait3A_312 = arith.constant 0 : i32
        %dma_wait3A_313 = arith.constant 0 : i32
        %dma_wait3A_314 = tpu.memref_slice %arg6[%run_scoped3A_193, %dma_wait3A_312, %dma_wait3A_313] : memref<8x128x16xf32, #tpu.memory_space<vmem>> -> memref<1x128x16xf32, #tpu.memory_space<vmem>>
        %dma_wait3A_315 = tpu.memref_squeeze %dma_wait3A_314 : memref<1x128x16xf32, #tpu.memory_space<vmem>> -> memref<128x16xf32, #tpu.memory_space<vmem>>
        %dma_wait3A_316 = arith.constant 0 : i32
        %dma_wait3A_317 = tpu.memref_slice %arg4[%add3A_192, %dma_wait3A_316] : memref<425984x16xf32, #tpu.memory_space<hbm>> -> memref<128x16xf32, #tpu.memory_space<hbm>>
        %dma_wait3A_318 = arith.constant 0 : i32
        %dma_wait3A_319 = tpu.memref_slice %arg4[%add3A_192, %dma_wait3A_318] : memref<425984x16xf32, #tpu.memory_space<hbm>> -> memref<128x16xf32, #tpu.memory_space<hbm>>
        %dma_wait3A_320 = arith.constant 0 : i32
        %dma_wait3A_321 = arith.constant 0 : i32
        %dma_wait3A_322 = tpu.memref_slice %arg6[%run_scoped3A_193, %dma_wait3A_320, %dma_wait3A_321] : memref<8x128x16xf32, #tpu.memory_space<vmem>> -> memref<1x128x16xf32, #tpu.memory_space<vmem>>
        %dma_wait3A_323 = tpu.memref_squeeze %dma_wait3A_322 : memref<1x128x16xf32, #tpu.memory_space<vmem>> -> memref<128x16xf32, #tpu.memory_space<vmem>>
        tpu.wait_dma2 semaphore(%run_scoped3A_299 : memref<!tpu.dma_semaphore, #tpu.memory_space<semaphore_mem>>) src(%dma_wait3A_323 : memref<128x16xf32, #tpu.memory_space<vmem>>) dst(%dma_wait3A_319 : memref<128x16xf32, #tpu.memory_space<hbm>>)
        tpu.yield
      }) : () -> ()
      %lt3A_194 = arith.constant 12 : i32
      %lt3A_195 = arith.cmpi slt, %scan3A_103, %lt3A_194 : i32
      %convert_element_type3A_196 = arith.extui %lt3A_195 : i1 to i32
      %cond3A_197 = arith.constant 0 : i32
      %cond3A_198 = arith.cmpi ne, %convert_element_type3A_196, %cond3A_197 : i32
      scf.if %cond3A_198 {
        %add3A_299 = arith.constant 8 : i32
        %add3A_300 = arith.addi %add3A_177, %add3A_299 : i32
        %dma_start3A_301 = arith.constant 3 : i32
        %dma_start3A_302 = arith.constant 0 : i32
        %dma_start3A_303 = arith.constant 0 : i32
        %dma_start3A_304 = tpu.memref_slice %arg6[%dma_start3A_301, %dma_start3A_302, %dma_start3A_303] : memref<8x128x16xf32, #tpu.memory_space<vmem>> -> memref<1x128x16xf32, #tpu.memory_space<vmem>>
        %dma_start3A_305 = tpu.memref_squeeze %dma_start3A_304 : memref<1x128x16xf32, #tpu.memory_space<vmem>> -> memref<128x16xf32, #tpu.memory_space<vmem>>
        %dma_start3A_306 = arith.constant 0 : i32
        %dma_start3A_307 = tpu.memref_slice %arg5[%add3A_300, %dma_start3A_306] : memref<104x128xi32, #tpu.memory_space<vmem>> -> memref<1x128xi32, #tpu.memory_space<vmem>>
        %dma_start3A_308 = tpu.memref_squeeze %dma_start3A_307 : memref<1x128xi32, #tpu.memory_space<vmem>> -> memref<128xi32, #tpu.memory_space<vmem>>
        %dma_start3A_309 = arith.constant 0 : i32
        %dma_start3A_310 = arith.constant 0 : i32
        %dma_start3A_311 = tpu.memref_slice %arg2[%dma_start3A_309, %dma_start3A_310] : memref<2600000x16xf32, #tpu.memory_space<hbm>> -> memref<2600000x16xf32, #tpu.memory_space<hbm>>
        tpu.enqueue_indirect_dma source(%dma_start3A_311 : memref<2600000x16xf32, #tpu.memory_space<hbm>>) target(%dma_start3A_305 : memref<128x16xf32, #tpu.memory_space<vmem>>) offsets(%dma_start3A_308 : memref<128xi32, #tpu.memory_space<vmem>>) semaphore(%arg10 : memref<!tpu.dma_semaphore, #tpu.memory_space<semaphore_mem>>)
      } else {
      }
      %mul3A_199 = arith.constant 8 : i32
      %mul3A_200 = arith.muli %scan3A_103, %mul3A_199 : i32
      %add3A_201 = arith.constant 4 : i32
      %add3A_202 = arith.addi %mul3A_200, %add3A_201 : i32
      %dma_wait3A_203 = arith.constant 4 : i32
      %dma_wait3A_204 = arith.constant 4 : i32
      %dma_wait3A_205 = arith.constant 0 : i32
      %dma_wait3A_206 = arith.constant 0 : i32
      %dma_wait3A_207 = tpu.memref_slice %arg6[%dma_wait3A_204, %dma_wait3A_205, %dma_wait3A_206] : memref<8x128x16xf32, #tpu.memory_space<vmem>> -> memref<1x128x16xf32, #tpu.memory_space<vmem>>
      %dma_wait3A_208 = tpu.memref_squeeze %dma_wait3A_207 : memref<1x128x16xf32, #tpu.memory_space<vmem>> -> memref<128x16xf32, #tpu.memory_space<vmem>>
      %dma_wait3A_209 = arith.constant 0 : i32
      %dma_wait3A_210 = tpu.memref_slice %arg5[%dma_wait3A_203, %dma_wait3A_209] : memref<104x128xi32, #tpu.memory_space<vmem>> -> memref<1x128xi32, #tpu.memory_space<vmem>>
      %dma_wait3A_211 = tpu.memref_squeeze %dma_wait3A_210 : memref<1x128xi32, #tpu.memory_space<vmem>> -> memref<128xi32, #tpu.memory_space<vmem>>
      %dma_wait3A_212 = arith.constant 0 : i32
      %dma_wait3A_213 = arith.constant 0 : i32
      %dma_wait3A_214 = tpu.memref_slice %arg2[%dma_wait3A_212, %dma_wait3A_213] : memref<2600000x16xf32, #tpu.memory_space<hbm>> -> memref<2600000x16xf32, #tpu.memory_space<hbm>>
      tpu.wait_indirect_dma semaphore(%arg11 : memref<!tpu.dma_semaphore, #tpu.memory_space<semaphore_mem>>) src(%dma_wait3A_214 : memref<2600000x16xf32, #tpu.memory_space<hbm>>) dst(%dma_wait3A_208 : memref<128x16xf32, #tpu.memory_space<vmem>>)
      %mul3A_215 = arith.constant 128 : i32
      %mul3A_216 = arith.muli %add3A_202, %mul3A_215 : i32
      %add3A_217 = arith.addi %mul3A_2, %mul3A_216 : i32
      %run_scoped3A_218 = arith.constant 4 : i32
      "tpu.region"() ({
        %run_scoped3A_299 = tpu.sem_alloc : memref<!tpu.dma_semaphore, #tpu.memory_space<semaphore_mem>>
        %dma_start3A_300 = arith.constant 0 : i32
        %dma_start3A_301 = arith.constant 0 : i32
        %dma_start3A_302 = tpu.memref_slice %arg6[%run_scoped3A_218, %dma_start3A_300, %dma_start3A_301] : memref<8x128x16xf32, #tpu.memory_space<vmem>> -> memref<1x128x16xf32, #tpu.memory_space<vmem>>
        %dma_start3A_303 = tpu.memref_squeeze %dma_start3A_302 : memref<1x128x16xf32, #tpu.memory_space<vmem>> -> memref<128x16xf32, #tpu.memory_space<vmem>>
        %dma_start3A_304 = arith.constant 0 : i32
        %dma_start3A_305 = tpu.memref_slice %arg4[%add3A_217, %dma_start3A_304] : memref<425984x16xf32, #tpu.memory_space<hbm>> -> memref<128x16xf32, #tpu.memory_space<hbm>>
        %dma_start3A_306 = arith.constant 0 : i32
        %dma_start3A_307 = tpu.memref_slice %arg4[%add3A_217, %dma_start3A_306] : memref<425984x16xf32, #tpu.memory_space<hbm>> -> memref<128x16xf32, #tpu.memory_space<hbm>>
        %dma_start3A_308 = arith.constant 0 : i32
        %dma_start3A_309 = arith.constant 0 : i32
        %dma_start3A_310 = tpu.memref_slice %arg6[%run_scoped3A_218, %dma_start3A_308, %dma_start3A_309] : memref<8x128x16xf32, #tpu.memory_space<vmem>> -> memref<1x128x16xf32, #tpu.memory_space<vmem>>
        %dma_start3A_311 = tpu.memref_squeeze %dma_start3A_310 : memref<1x128x16xf32, #tpu.memory_space<vmem>> -> memref<128x16xf32, #tpu.memory_space<vmem>>
        tpu.enqueue_dma source(%dma_start3A_311 : memref<128x16xf32, #tpu.memory_space<vmem>>) target(%dma_start3A_307 : memref<128x16xf32, #tpu.memory_space<hbm>>) target_semaphore(%run_scoped3A_299 : memref<!tpu.dma_semaphore, #tpu.memory_space<semaphore_mem>>)
        %dma_wait3A_312 = arith.constant 0 : i32
        %dma_wait3A_313 = arith.constant 0 : i32
        %dma_wait3A_314 = tpu.memref_slice %arg6[%run_scoped3A_218, %dma_wait3A_312, %dma_wait3A_313] : memref<8x128x16xf32, #tpu.memory_space<vmem>> -> memref<1x128x16xf32, #tpu.memory_space<vmem>>
        %dma_wait3A_315 = tpu.memref_squeeze %dma_wait3A_314 : memref<1x128x16xf32, #tpu.memory_space<vmem>> -> memref<128x16xf32, #tpu.memory_space<vmem>>
        %dma_wait3A_316 = arith.constant 0 : i32
        %dma_wait3A_317 = tpu.memref_slice %arg4[%add3A_217, %dma_wait3A_316] : memref<425984x16xf32, #tpu.memory_space<hbm>> -> memref<128x16xf32, #tpu.memory_space<hbm>>
        %dma_wait3A_318 = arith.constant 0 : i32
        %dma_wait3A_319 = tpu.memref_slice %arg4[%add3A_217, %dma_wait3A_318] : memref<425984x16xf32, #tpu.memory_space<hbm>> -> memref<128x16xf32, #tpu.memory_space<hbm>>
        %dma_wait3A_320 = arith.constant 0 : i32
        %dma_wait3A_321 = arith.constant 0 : i32
        %dma_wait3A_322 = tpu.memref_slice %arg6[%run_scoped3A_218, %dma_wait3A_320, %dma_wait3A_321] : memref<8x128x16xf32, #tpu.memory_space<vmem>> -> memref<1x128x16xf32, #tpu.memory_space<vmem>>
        %dma_wait3A_323 = tpu.memref_squeeze %dma_wait3A_322 : memref<1x128x16xf32, #tpu.memory_space<vmem>> -> memref<128x16xf32, #tpu.memory_space<vmem>>
        tpu.wait_dma2 semaphore(%run_scoped3A_299 : memref<!tpu.dma_semaphore, #tpu.memory_space<semaphore_mem>>) src(%dma_wait3A_323 : memref<128x16xf32, #tpu.memory_space<vmem>>) dst(%dma_wait3A_319 : memref<128x16xf32, #tpu.memory_space<hbm>>)
        tpu.yield
      }) : () -> ()
      %lt3A_219 = arith.constant 12 : i32
      %lt3A_220 = arith.cmpi slt, %scan3A_103, %lt3A_219 : i32
      %convert_element_type3A_221 = arith.extui %lt3A_220 : i1 to i32
      %cond3A_222 = arith.constant 0 : i32
      %cond3A_223 = arith.cmpi ne, %convert_element_type3A_221, %cond3A_222 : i32
      scf.if %cond3A_223 {
        %add3A_299 = arith.constant 8 : i32
        %add3A_300 = arith.addi %add3A_202, %add3A_299 : i32
        %dma_start3A_301 = arith.constant 4 : i32
        %dma_start3A_302 = arith.constant 0 : i32
        %dma_start3A_303 = arith.constant 0 : i32
        %dma_start3A_304 = tpu.memref_slice %arg6[%dma_start3A_301, %dma_start3A_302, %dma_start3A_303] : memref<8x128x16xf32, #tpu.memory_space<vmem>> -> memref<1x128x16xf32, #tpu.memory_space<vmem>>
        %dma_start3A_305 = tpu.memref_squeeze %dma_start3A_304 : memref<1x128x16xf32, #tpu.memory_space<vmem>> -> memref<128x16xf32, #tpu.memory_space<vmem>>
        %dma_start3A_306 = arith.constant 0 : i32
        %dma_start3A_307 = tpu.memref_slice %arg5[%add3A_300, %dma_start3A_306] : memref<104x128xi32, #tpu.memory_space<vmem>> -> memref<1x128xi32, #tpu.memory_space<vmem>>
        %dma_start3A_308 = tpu.memref_squeeze %dma_start3A_307 : memref<1x128xi32, #tpu.memory_space<vmem>> -> memref<128xi32, #tpu.memory_space<vmem>>
        %dma_start3A_309 = arith.constant 0 : i32
        %dma_start3A_310 = arith.constant 0 : i32
        %dma_start3A_311 = tpu.memref_slice %arg2[%dma_start3A_309, %dma_start3A_310] : memref<2600000x16xf32, #tpu.memory_space<hbm>> -> memref<2600000x16xf32, #tpu.memory_space<hbm>>
        tpu.enqueue_indirect_dma source(%dma_start3A_311 : memref<2600000x16xf32, #tpu.memory_space<hbm>>) target(%dma_start3A_305 : memref<128x16xf32, #tpu.memory_space<vmem>>) offsets(%dma_start3A_308 : memref<128xi32, #tpu.memory_space<vmem>>) semaphore(%arg11 : memref<!tpu.dma_semaphore, #tpu.memory_space<semaphore_mem>>)
      } else {
      }
      %mul3A_224 = arith.constant 8 : i32
      %mul3A_225 = arith.muli %scan3A_103, %mul3A_224 : i32
      %add3A_226 = arith.constant 5 : i32
      %add3A_227 = arith.addi %mul3A_225, %add3A_226 : i32
      %dma_wait3A_228 = arith.constant 5 : i32
      %dma_wait3A_229 = arith.constant 5 : i32
      %dma_wait3A_230 = arith.constant 0 : i32
      %dma_wait3A_231 = arith.constant 0 : i32
      %dma_wait3A_232 = tpu.memref_slice %arg6[%dma_wait3A_229, %dma_wait3A_230, %dma_wait3A_231] : memref<8x128x16xf32, #tpu.memory_space<vmem>> -> memref<1x128x16xf32, #tpu.memory_space<vmem>>
      %dma_wait3A_233 = tpu.memref_squeeze %dma_wait3A_232 : memref<1x128x16xf32, #tpu.memory_space<vmem>> -> memref<128x16xf32, #tpu.memory_space<vmem>>
      %dma_wait3A_234 = arith.constant 0 : i32
      %dma_wait3A_235 = tpu.memref_slice %arg5[%dma_wait3A_228, %dma_wait3A_234] : memref<104x128xi32, #tpu.memory_space<vmem>> -> memref<1x128xi32, #tpu.memory_space<vmem>>
      %dma_wait3A_236 = tpu.memref_squeeze %dma_wait3A_235 : memref<1x128xi32, #tpu.memory_space<vmem>> -> memref<128xi32, #tpu.memory_space<vmem>>
      %dma_wait3A_237 = arith.constant 0 : i32
      %dma_wait3A_238 = arith.constant 0 : i32
      %dma_wait3A_239 = tpu.memref_slice %arg2[%dma_wait3A_237, %dma_wait3A_238] : memref<2600000x16xf32, #tpu.memory_space<hbm>> -> memref<2600000x16xf32, #tpu.memory_space<hbm>>
      tpu.wait_indirect_dma semaphore(%arg12 : memref<!tpu.dma_semaphore, #tpu.memory_space<semaphore_mem>>) src(%dma_wait3A_239 : memref<2600000x16xf32, #tpu.memory_space<hbm>>) dst(%dma_wait3A_233 : memref<128x16xf32, #tpu.memory_space<vmem>>)
      %mul3A_240 = arith.constant 128 : i32
      %mul3A_241 = arith.muli %add3A_227, %mul3A_240 : i32
      %add3A_242 = arith.addi %mul3A_2, %mul3A_241 : i32
      %run_scoped3A_243 = arith.constant 5 : i32
      "tpu.region"() ({
        %run_scoped3A_299 = tpu.sem_alloc : memref<!tpu.dma_semaphore, #tpu.memory_space<semaphore_mem>>
        %dma_start3A_300 = arith.constant 0 : i32
        %dma_start3A_301 = arith.constant 0 : i32
        %dma_start3A_302 = tpu.memref_slice %arg6[%run_scoped3A_243, %dma_start3A_300, %dma_start3A_301] : memref<8x128x16xf32, #tpu.memory_space<vmem>> -> memref<1x128x16xf32, #tpu.memory_space<vmem>>
        %dma_start3A_303 = tpu.memref_squeeze %dma_start3A_302 : memref<1x128x16xf32, #tpu.memory_space<vmem>> -> memref<128x16xf32, #tpu.memory_space<vmem>>
        %dma_start3A_304 = arith.constant 0 : i32
        %dma_start3A_305 = tpu.memref_slice %arg4[%add3A_242, %dma_start3A_304] : memref<425984x16xf32, #tpu.memory_space<hbm>> -> memref<128x16xf32, #tpu.memory_space<hbm>>
        %dma_start3A_306 = arith.constant 0 : i32
        %dma_start3A_307 = tpu.memref_slice %arg4[%add3A_242, %dma_start3A_306] : memref<425984x16xf32, #tpu.memory_space<hbm>> -> memref<128x16xf32, #tpu.memory_space<hbm>>
        %dma_start3A_308 = arith.constant 0 : i32
        %dma_start3A_309 = arith.constant 0 : i32
        %dma_start3A_310 = tpu.memref_slice %arg6[%run_scoped3A_243, %dma_start3A_308, %dma_start3A_309] : memref<8x128x16xf32, #tpu.memory_space<vmem>> -> memref<1x128x16xf32, #tpu.memory_space<vmem>>
        %dma_start3A_311 = tpu.memref_squeeze %dma_start3A_310 : memref<1x128x16xf32, #tpu.memory_space<vmem>> -> memref<128x16xf32, #tpu.memory_space<vmem>>
        tpu.enqueue_dma source(%dma_start3A_311 : memref<128x16xf32, #tpu.memory_space<vmem>>) target(%dma_start3A_307 : memref<128x16xf32, #tpu.memory_space<hbm>>) target_semaphore(%run_scoped3A_299 : memref<!tpu.dma_semaphore, #tpu.memory_space<semaphore_mem>>)
        %dma_wait3A_312 = arith.constant 0 : i32
        %dma_wait3A_313 = arith.constant 0 : i32
        %dma_wait3A_314 = tpu.memref_slice %arg6[%run_scoped3A_243, %dma_wait3A_312, %dma_wait3A_313] : memref<8x128x16xf32, #tpu.memory_space<vmem>> -> memref<1x128x16xf32, #tpu.memory_space<vmem>>
        %dma_wait3A_315 = tpu.memref_squeeze %dma_wait3A_314 : memref<1x128x16xf32, #tpu.memory_space<vmem>> -> memref<128x16xf32, #tpu.memory_space<vmem>>
        %dma_wait3A_316 = arith.constant 0 : i32
        %dma_wait3A_317 = tpu.memref_slice %arg4[%add3A_242, %dma_wait3A_316] : memref<425984x16xf32, #tpu.memory_space<hbm>> -> memref<128x16xf32, #tpu.memory_space<hbm>>
        %dma_wait3A_318 = arith.constant 0 : i32
        %dma_wait3A_319 = tpu.memref_slice %arg4[%add3A_242, %dma_wait3A_318] : memref<425984x16xf32, #tpu.memory_space<hbm>> -> memref<128x16xf32, #tpu.memory_space<hbm>>
        %dma_wait3A_320 = arith.constant 0 : i32
        %dma_wait3A_321 = arith.constant 0 : i32
        %dma_wait3A_322 = tpu.memref_slice %arg6[%run_scoped3A_243, %dma_wait3A_320, %dma_wait3A_321] : memref<8x128x16xf32, #tpu.memory_space<vmem>> -> memref<1x128x16xf32, #tpu.memory_space<vmem>>
        %dma_wait3A_323 = tpu.memref_squeeze %dma_wait3A_322 : memref<1x128x16xf32, #tpu.memory_space<vmem>> -> memref<128x16xf32, #tpu.memory_space<vmem>>
        tpu.wait_dma2 semaphore(%run_scoped3A_299 : memref<!tpu.dma_semaphore, #tpu.memory_space<semaphore_mem>>) src(%dma_wait3A_323 : memref<128x16xf32, #tpu.memory_space<vmem>>) dst(%dma_wait3A_319 : memref<128x16xf32, #tpu.memory_space<hbm>>)
        tpu.yield
      }) : () -> ()
      %lt3A_244 = arith.constant 12 : i32
      %lt3A_245 = arith.cmpi slt, %scan3A_103, %lt3A_244 : i32
      %convert_element_type3A_246 = arith.extui %lt3A_245 : i1 to i32
      %cond3A_247 = arith.constant 0 : i32
      %cond3A_248 = arith.cmpi ne, %convert_element_type3A_246, %cond3A_247 : i32
      scf.if %cond3A_248 {
        %add3A_299 = arith.constant 8 : i32
        %add3A_300 = arith.addi %add3A_227, %add3A_299 : i32
        %dma_start3A_301 = arith.constant 5 : i32
        %dma_start3A_302 = arith.constant 0 : i32
        %dma_start3A_303 = arith.constant 0 : i32
        %dma_start3A_304 = tpu.memref_slice %arg6[%dma_start3A_301, %dma_start3A_302, %dma_start3A_303] : memref<8x128x16xf32, #tpu.memory_space<vmem>> -> memref<1x128x16xf32, #tpu.memory_space<vmem>>
        %dma_start3A_305 = tpu.memref_squeeze %dma_start3A_304 : memref<1x128x16xf32, #tpu.memory_space<vmem>> -> memref<128x16xf32, #tpu.memory_space<vmem>>
        %dma_start3A_306 = arith.constant 0 : i32
        %dma_start3A_307 = tpu.memref_slice %arg5[%add3A_300, %dma_start3A_306] : memref<104x128xi32, #tpu.memory_space<vmem>> -> memref<1x128xi32, #tpu.memory_space<vmem>>
        %dma_start3A_308 = tpu.memref_squeeze %dma_start3A_307 : memref<1x128xi32, #tpu.memory_space<vmem>> -> memref<128xi32, #tpu.memory_space<vmem>>
        %dma_start3A_309 = arith.constant 0 : i32
        %dma_start3A_310 = arith.constant 0 : i32
        %dma_start3A_311 = tpu.memref_slice %arg2[%dma_start3A_309, %dma_start3A_310] : memref<2600000x16xf32, #tpu.memory_space<hbm>> -> memref<2600000x16xf32, #tpu.memory_space<hbm>>
        tpu.enqueue_indirect_dma source(%dma_start3A_311 : memref<2600000x16xf32, #tpu.memory_space<hbm>>) target(%dma_start3A_305 : memref<128x16xf32, #tpu.memory_space<vmem>>) offsets(%dma_start3A_308 : memref<128xi32, #tpu.memory_space<vmem>>) semaphore(%arg12 : memref<!tpu.dma_semaphore, #tpu.memory_space<semaphore_mem>>)
      } else {
      }
      %mul3A_249 = arith.constant 8 : i32
      %mul3A_250 = arith.muli %scan3A_103, %mul3A_249 : i32
      %add3A_251 = arith.constant 6 : i32
      %add3A_252 = arith.addi %mul3A_250, %add3A_251 : i32
      %dma_wait3A_253 = arith.constant 6 : i32
      %dma_wait3A_254 = arith.constant 6 : i32
      %dma_wait3A_255 = arith.constant 0 : i32
      %dma_wait3A_256 = arith.constant 0 : i32
      %dma_wait3A_257 = tpu.memref_slice %arg6[%dma_wait3A_254, %dma_wait3A_255, %dma_wait3A_256] : memref<8x128x16xf32, #tpu.memory_space<vmem>> -> memref<1x128x16xf32, #tpu.memory_space<vmem>>
      %dma_wait3A_258 = tpu.memref_squeeze %dma_wait3A_257 : memref<1x128x16xf32, #tpu.memory_space<vmem>> -> memref<128x16xf32, #tpu.memory_space<vmem>>
      %dma_wait3A_259 = arith.constant 0 : i32
      %dma_wait3A_260 = tpu.memref_slice %arg5[%dma_wait3A_253, %dma_wait3A_259] : memref<104x128xi32, #tpu.memory_space<vmem>> -> memref<1x128xi32, #tpu.memory_space<vmem>>
      %dma_wait3A_261 = tpu.memref_squeeze %dma_wait3A_260 : memref<1x128xi32, #tpu.memory_space<vmem>> -> memref<128xi32, #tpu.memory_space<vmem>>
      %dma_wait3A_262 = arith.constant 0 : i32
      %dma_wait3A_263 = arith.constant 0 : i32
      %dma_wait3A_264 = tpu.memref_slice %arg2[%dma_wait3A_262, %dma_wait3A_263] : memref<2600000x16xf32, #tpu.memory_space<hbm>> -> memref<2600000x16xf32, #tpu.memory_space<hbm>>
      tpu.wait_indirect_dma semaphore(%arg13 : memref<!tpu.dma_semaphore, #tpu.memory_space<semaphore_mem>>) src(%dma_wait3A_264 : memref<2600000x16xf32, #tpu.memory_space<hbm>>) dst(%dma_wait3A_258 : memref<128x16xf32, #tpu.memory_space<vmem>>)
      %mul3A_265 = arith.constant 128 : i32
      %mul3A_266 = arith.muli %add3A_252, %mul3A_265 : i32
      %add3A_267 = arith.addi %mul3A_2, %mul3A_266 : i32
      %run_scoped3A_268 = arith.constant 6 : i32
      "tpu.region"() ({
        %run_scoped3A_299 = tpu.sem_alloc : memref<!tpu.dma_semaphore, #tpu.memory_space<semaphore_mem>>
        %dma_start3A_300 = arith.constant 0 : i32
        %dma_start3A_301 = arith.constant 0 : i32
        %dma_start3A_302 = tpu.memref_slice %arg6[%run_scoped3A_268, %dma_start3A_300, %dma_start3A_301] : memref<8x128x16xf32, #tpu.memory_space<vmem>> -> memref<1x128x16xf32, #tpu.memory_space<vmem>>
        %dma_start3A_303 = tpu.memref_squeeze %dma_start3A_302 : memref<1x128x16xf32, #tpu.memory_space<vmem>> -> memref<128x16xf32, #tpu.memory_space<vmem>>
        %dma_start3A_304 = arith.constant 0 : i32
        %dma_start3A_305 = tpu.memref_slice %arg4[%add3A_267, %dma_start3A_304] : memref<425984x16xf32, #tpu.memory_space<hbm>> -> memref<128x16xf32, #tpu.memory_space<hbm>>
        %dma_start3A_306 = arith.constant 0 : i32
        %dma_start3A_307 = tpu.memref_slice %arg4[%add3A_267, %dma_start3A_306] : memref<425984x16xf32, #tpu.memory_space<hbm>> -> memref<128x16xf32, #tpu.memory_space<hbm>>
        %dma_start3A_308 = arith.constant 0 : i32
        %dma_start3A_309 = arith.constant 0 : i32
        %dma_start3A_310 = tpu.memref_slice %arg6[%run_scoped3A_268, %dma_start3A_308, %dma_start3A_309] : memref<8x128x16xf32, #tpu.memory_space<vmem>> -> memref<1x128x16xf32, #tpu.memory_space<vmem>>
        %dma_start3A_311 = tpu.memref_squeeze %dma_start3A_310 : memref<1x128x16xf32, #tpu.memory_space<vmem>> -> memref<128x16xf32, #tpu.memory_space<vmem>>
        tpu.enqueue_dma source(%dma_start3A_311 : memref<128x16xf32, #tpu.memory_space<vmem>>) target(%dma_start3A_307 : memref<128x16xf32, #tpu.memory_space<hbm>>) target_semaphore(%run_scoped3A_299 : memref<!tpu.dma_semaphore, #tpu.memory_space<semaphore_mem>>)
        %dma_wait3A_312 = arith.constant 0 : i32
        %dma_wait3A_313 = arith.constant 0 : i32
        %dma_wait3A_314 = tpu.memref_slice %arg6[%run_scoped3A_268, %dma_wait3A_312, %dma_wait3A_313] : memref<8x128x16xf32, #tpu.memory_space<vmem>> -> memref<1x128x16xf32, #tpu.memory_space<vmem>>
        %dma_wait3A_315 = tpu.memref_squeeze %dma_wait3A_314 : memref<1x128x16xf32, #tpu.memory_space<vmem>> -> memref<128x16xf32, #tpu.memory_space<vmem>>
        %dma_wait3A_316 = arith.constant 0 : i32
        %dma_wait3A_317 = tpu.memref_slice %arg4[%add3A_267, %dma_wait3A_316] : memref<425984x16xf32, #tpu.memory_space<hbm>> -> memref<128x16xf32, #tpu.memory_space<hbm>>
        %dma_wait3A_318 = arith.constant 0 : i32
        %dma_wait3A_319 = tpu.memref_slice %arg4[%add3A_267, %dma_wait3A_318] : memref<425984x16xf32, #tpu.memory_space<hbm>> -> memref<128x16xf32, #tpu.memory_space<hbm>>
        %dma_wait3A_320 = arith.constant 0 : i32
        %dma_wait3A_321 = arith.constant 0 : i32
        %dma_wait3A_322 = tpu.memref_slice %arg6[%run_scoped3A_268, %dma_wait3A_320, %dma_wait3A_321] : memref<8x128x16xf32, #tpu.memory_space<vmem>> -> memref<1x128x16xf32, #tpu.memory_space<vmem>>
        %dma_wait3A_323 = tpu.memref_squeeze %dma_wait3A_322 : memref<1x128x16xf32, #tpu.memory_space<vmem>> -> memref<128x16xf32, #tpu.memory_space<vmem>>
        tpu.wait_dma2 semaphore(%run_scoped3A_299 : memref<!tpu.dma_semaphore, #tpu.memory_space<semaphore_mem>>) src(%dma_wait3A_323 : memref<128x16xf32, #tpu.memory_space<vmem>>) dst(%dma_wait3A_319 : memref<128x16xf32, #tpu.memory_space<hbm>>)
        tpu.yield
      }) : () -> ()
      %lt3A_269 = arith.constant 12 : i32
      %lt3A_270 = arith.cmpi slt, %scan3A_103, %lt3A_269 : i32
      %convert_element_type3A_271 = arith.extui %lt3A_270 : i1 to i32
      %cond3A_272 = arith.constant 0 : i32
      %cond3A_273 = arith.cmpi ne, %convert_element_type3A_271, %cond3A_272 : i32
      scf.if %cond3A_273 {
        %add3A_299 = arith.constant 8 : i32
        %add3A_300 = arith.addi %add3A_252, %add3A_299 : i32
        %dma_start3A_301 = arith.constant 6 : i32
        %dma_start3A_302 = arith.constant 0 : i32
        %dma_start3A_303 = arith.constant 0 : i32
        %dma_start3A_304 = tpu.memref_slice %arg6[%dma_start3A_301, %dma_start3A_302, %dma_start3A_303] : memref<8x128x16xf32, #tpu.memory_space<vmem>> -> memref<1x128x16xf32, #tpu.memory_space<vmem>>
        %dma_start3A_305 = tpu.memref_squeeze %dma_start3A_304 : memref<1x128x16xf32, #tpu.memory_space<vmem>> -> memref<128x16xf32, #tpu.memory_space<vmem>>
        %dma_start3A_306 = arith.constant 0 : i32
        %dma_start3A_307 = tpu.memref_slice %arg5[%add3A_300, %dma_start3A_306] : memref<104x128xi32, #tpu.memory_space<vmem>> -> memref<1x128xi32, #tpu.memory_space<vmem>>
        %dma_start3A_308 = tpu.memref_squeeze %dma_start3A_307 : memref<1x128xi32, #tpu.memory_space<vmem>> -> memref<128xi32, #tpu.memory_space<vmem>>
        %dma_start3A_309 = arith.constant 0 : i32
        %dma_start3A_310 = arith.constant 0 : i32
        %dma_start3A_311 = tpu.memref_slice %arg2[%dma_start3A_309, %dma_start3A_310] : memref<2600000x16xf32, #tpu.memory_space<hbm>> -> memref<2600000x16xf32, #tpu.memory_space<hbm>>
        tpu.enqueue_indirect_dma source(%dma_start3A_311 : memref<2600000x16xf32, #tpu.memory_space<hbm>>) target(%dma_start3A_305 : memref<128x16xf32, #tpu.memory_space<vmem>>) offsets(%dma_start3A_308 : memref<128xi32, #tpu.memory_space<vmem>>) semaphore(%arg13 : memref<!tpu.dma_semaphore, #tpu.memory_space<semaphore_mem>>)
      } else {
      }
      %mul3A_274 = arith.constant 8 : i32
      %mul3A_275 = arith.muli %scan3A_103, %mul3A_274 : i32
      %add3A_276 = arith.constant 7 : i32
      %add3A_277 = arith.addi %mul3A_275, %add3A_276 : i32
      %dma_wait3A_278 = arith.constant 7 : i32
      %dma_wait3A_279 = arith.constant 7 : i32
      %dma_wait3A_280 = arith.constant 0 : i32
      %dma_wait3A_281 = arith.constant 0 : i32
      %dma_wait3A_282 = tpu.memref_slice %arg6[%dma_wait3A_279, %dma_wait3A_280, %dma_wait3A_281] : memref<8x128x16xf32, #tpu.memory_space<vmem>> -> memref<1x128x16xf32, #tpu.memory_space<vmem>>
      %dma_wait3A_283 = tpu.memref_squeeze %dma_wait3A_282 : memref<1x128x16xf32, #tpu.memory_space<vmem>> -> memref<128x16xf32, #tpu.memory_space<vmem>>
      %dma_wait3A_284 = arith.constant 0 : i32
      %dma_wait3A_285 = tpu.memref_slice %arg5[%dma_wait3A_278, %dma_wait3A_284] : memref<104x128xi32, #tpu.memory_space<vmem>> -> memref<1x128xi32, #tpu.memory_space<vmem>>
      %dma_wait3A_286 = tpu.memref_squeeze %dma_wait3A_285 : memref<1x128xi32, #tpu.memory_space<vmem>> -> memref<128xi32, #tpu.memory_space<vmem>>
      %dma_wait3A_287 = arith.constant 0 : i32
      %dma_wait3A_288 = arith.constant 0 : i32
      %dma_wait3A_289 = tpu.memref_slice %arg2[%dma_wait3A_287, %dma_wait3A_288] : memref<2600000x16xf32, #tpu.memory_space<hbm>> -> memref<2600000x16xf32, #tpu.memory_space<hbm>>
      tpu.wait_indirect_dma semaphore(%arg14 : memref<!tpu.dma_semaphore, #tpu.memory_space<semaphore_mem>>) src(%dma_wait3A_289 : memref<2600000x16xf32, #tpu.memory_space<hbm>>) dst(%dma_wait3A_283 : memref<128x16xf32, #tpu.memory_space<vmem>>)
      %mul3A_290 = arith.constant 128 : i32
      %mul3A_291 = arith.muli %add3A_277, %mul3A_290 : i32
      %add3A_292 = arith.addi %mul3A_2, %mul3A_291 : i32
      %run_scoped3A_293 = arith.constant 7 : i32
      "tpu.region"() ({
        %run_scoped3A_299 = tpu.sem_alloc : memref<!tpu.dma_semaphore, #tpu.memory_space<semaphore_mem>>
        %dma_start3A_300 = arith.constant 0 : i32
        %dma_start3A_301 = arith.constant 0 : i32
        %dma_start3A_302 = tpu.memref_slice %arg6[%run_scoped3A_293, %dma_start3A_300, %dma_start3A_301] : memref<8x128x16xf32, #tpu.memory_space<vmem>> -> memref<1x128x16xf32, #tpu.memory_space<vmem>>
        %dma_start3A_303 = tpu.memref_squeeze %dma_start3A_302 : memref<1x128x16xf32, #tpu.memory_space<vmem>> -> memref<128x16xf32, #tpu.memory_space<vmem>>
        %dma_start3A_304 = arith.constant 0 : i32
        %dma_start3A_305 = tpu.memref_slice %arg4[%add3A_292, %dma_start3A_304] : memref<425984x16xf32, #tpu.memory_space<hbm>> -> memref<128x16xf32, #tpu.memory_space<hbm>>
        %dma_start3A_306 = arith.constant 0 : i32
        %dma_start3A_307 = tpu.memref_slice %arg4[%add3A_292, %dma_start3A_306] : memref<425984x16xf32, #tpu.memory_space<hbm>> -> memref<128x16xf32, #tpu.memory_space<hbm>>
        %dma_start3A_308 = arith.constant 0 : i32
        %dma_start3A_309 = arith.constant 0 : i32
        %dma_start3A_310 = tpu.memref_slice %arg6[%run_scoped3A_293, %dma_start3A_308, %dma_start3A_309] : memref<8x128x16xf32, #tpu.memory_space<vmem>> -> memref<1x128x16xf32, #tpu.memory_space<vmem>>
        %dma_start3A_311 = tpu.memref_squeeze %dma_start3A_310 : memref<1x128x16xf32, #tpu.memory_space<vmem>> -> memref<128x16xf32, #tpu.memory_space<vmem>>
        tpu.enqueue_dma source(%dma_start3A_311 : memref<128x16xf32, #tpu.memory_space<vmem>>) target(%dma_start3A_307 : memref<128x16xf32, #tpu.memory_space<hbm>>) target_semaphore(%run_scoped3A_299 : memref<!tpu.dma_semaphore, #tpu.memory_space<semaphore_mem>>)
        %dma_wait3A_312 = arith.constant 0 : i32
        %dma_wait3A_313 = arith.constant 0 : i32
        %dma_wait3A_314 = tpu.memref_slice %arg6[%run_scoped3A_293, %dma_wait3A_312, %dma_wait3A_313] : memref<8x128x16xf32, #tpu.memory_space<vmem>> -> memref<1x128x16xf32, #tpu.memory_space<vmem>>
        %dma_wait3A_315 = tpu.memref_squeeze %dma_wait3A_314 : memref<1x128x16xf32, #tpu.memory_space<vmem>> -> memref<128x16xf32, #tpu.memory_space<vmem>>
        %dma_wait3A_316 = arith.constant 0 : i32
        %dma_wait3A_317 = tpu.memref_slice %arg4[%add3A_292, %dma_wait3A_316] : memref<425984x16xf32, #tpu.memory_space<hbm>> -> memref<128x16xf32, #tpu.memory_space<hbm>>
        %dma_wait3A_318 = arith.constant 0 : i32
        %dma_wait3A_319 = tpu.memref_slice %arg4[%add3A_292, %dma_wait3A_318] : memref<425984x16xf32, #tpu.memory_space<hbm>> -> memref<128x16xf32, #tpu.memory_space<hbm>>
        %dma_wait3A_320 = arith.constant 0 : i32
        %dma_wait3A_321 = arith.constant 0 : i32
        %dma_wait3A_322 = tpu.memref_slice %arg6[%run_scoped3A_293, %dma_wait3A_320, %dma_wait3A_321] : memref<8x128x16xf32, #tpu.memory_space<vmem>> -> memref<1x128x16xf32, #tpu.memory_space<vmem>>
        %dma_wait3A_323 = tpu.memref_squeeze %dma_wait3A_322 : memref<1x128x16xf32, #tpu.memory_space<vmem>> -> memref<128x16xf32, #tpu.memory_space<vmem>>
        tpu.wait_dma2 semaphore(%run_scoped3A_299 : memref<!tpu.dma_semaphore, #tpu.memory_space<semaphore_mem>>) src(%dma_wait3A_323 : memref<128x16xf32, #tpu.memory_space<vmem>>) dst(%dma_wait3A_319 : memref<128x16xf32, #tpu.memory_space<hbm>>)
        tpu.yield
      }) : () -> ()
      %lt3A_294 = arith.constant 12 : i32
      %lt3A_295 = arith.cmpi slt, %scan3A_103, %lt3A_294 : i32
      %convert_element_type3A_296 = arith.extui %lt3A_295 : i1 to i32
      %cond3A_297 = arith.constant 0 : i32
      %cond3A_298 = arith.cmpi ne, %convert_element_type3A_296, %cond3A_297 : i32
      scf.if %cond3A_298 {
        %add3A_299 = arith.constant 8 : i32
        %add3A_300 = arith.addi %add3A_277, %add3A_299 : i32
        %dma_start3A_301 = arith.constant 7 : i32
        %dma_start3A_302 = arith.constant 0 : i32
        %dma_start3A_303 = arith.constant 0 : i32
        %dma_start3A_304 = tpu.memref_slice %arg6[%dma_start3A_301, %dma_start3A_302, %dma_start3A_303] : memref<8x128x16xf32, #tpu.memory_space<vmem>> -> memref<1x128x16xf32, #tpu.memory_space<vmem>>
        %dma_start3A_305 = tpu.memref_squeeze %dma_start3A_304 : memref<1x128x16xf32, #tpu.memory_space<vmem>> -> memref<128x16xf32, #tpu.memory_space<vmem>>
        %dma_start3A_306 = arith.constant 0 : i32
        %dma_start3A_307 = tpu.memref_slice %arg5[%add3A_300, %dma_start3A_306] : memref<104x128xi32, #tpu.memory_space<vmem>> -> memref<1x128xi32, #tpu.memory_space<vmem>>
        %dma_start3A_308 = tpu.memref_squeeze %dma_start3A_307 : memref<1x128xi32, #tpu.memory_space<vmem>> -> memref<128xi32, #tpu.memory_space<vmem>>
        %dma_start3A_309 = arith.constant 0 : i32
        %dma_start3A_310 = arith.constant 0 : i32
        %dma_start3A_311 = tpu.memref_slice %arg2[%dma_start3A_309, %dma_start3A_310] : memref<2600000x16xf32, #tpu.memory_space<hbm>> -> memref<2600000x16xf32, #tpu.memory_space<hbm>>
        tpu.enqueue_indirect_dma source(%dma_start3A_311 : memref<2600000x16xf32, #tpu.memory_space<hbm>>) target(%dma_start3A_305 : memref<128x16xf32, #tpu.memory_space<vmem>>) offsets(%dma_start3A_308 : memref<128xi32, #tpu.memory_space<vmem>>) semaphore(%arg14 : memref<!tpu.dma_semaphore, #tpu.memory_space<semaphore_mem>>)
      } else {
      }
    }
    %scan3A_102 = arith.constant 13 : i32
    return
  }
}

module attributes {stable_mosaic.version = 14 : i64} {
  func.func @body(%arg0: i32, %arg1: memref<1024x13xf32, #tpu.memory_space<vmem>>, %arg2: memref<1024x416xf32, #tpu.memory_space<vmem>>, %arg3: memref<13x256xf32, #tpu.memory_space<vmem>>, %arg4: memref<416x256xf32, #tpu.memory_space<vmem>>, %arg5: memref<1x256xf32, #tpu.memory_space<vmem>>, %arg6: memref<256x128xf32, #tpu.memory_space<vmem>>, %arg7: memref<1x128xf32, #tpu.memory_space<vmem>>, %arg8: memref<128x64xf32, #tpu.memory_space<vmem>>, %arg9: memref<1x64xf32, #tpu.memory_space<vmem>>, %arg10: memref<64x2xf32, #tpu.memory_space<vmem>>, %arg11: memref<1x2xf32, #tpu.memory_space<vmem>>, %arg12: memref<1024x2xf32, #tpu.memory_space<vmem>>) attributes {dimension_semantics = [#tpu.dimension_semantics<arbitrary>], iteration_bounds = array<i64: 16>, scalar_prefetch = 0 : i64, scratch_operands = 0 : i64, tpu.core_type = #tpu.core_type<tc>, window_params = [{transform_indices = @transform_0, window_bounds = array<i64: 1024, 13>}, {transform_indices = @transform_1, window_bounds = array<i64: 1024, 416>}, {pipeline_mode = #tpu.pipeline_mode<synchronous>, transform_indices = @transform_2, window_bounds = array<i64: 13, 256>}, {pipeline_mode = #tpu.pipeline_mode<synchronous>, transform_indices = @transform_3, window_bounds = array<i64: 416, 256>}, {pipeline_mode = #tpu.pipeline_mode<synchronous>, transform_indices = @transform_4, window_bounds = array<i64: 1, 256>}, {pipeline_mode = #tpu.pipeline_mode<synchronous>, transform_indices = @transform_5, window_bounds = array<i64: 256, 128>}, {pipeline_mode = #tpu.pipeline_mode<synchronous>, transform_indices = @transform_6, window_bounds = array<i64: 1, 128>}, {pipeline_mode = #tpu.pipeline_mode<synchronous>, transform_indices = @transform_7, window_bounds = array<i64: 128, 64>}, {pipeline_mode = #tpu.pipeline_mode<synchronous>, transform_indices = @transform_8, window_bounds = array<i64: 1, 64>}, {pipeline_mode = #tpu.pipeline_mode<synchronous>, transform_indices = @transform_9, window_bounds = array<i64: 64, 2>}, {pipeline_mode = #tpu.pipeline_mode<synchronous>, transform_indices = @transform_10, window_bounds = array<i64: 1, 2>}, {transform_indices = @transform_11, window_bounds = array<i64: 1024, 2>}]} {
    %get3A = arith.constant 0 : index
    %get3A_0 = arith.constant 0 : index
    %get3A_1 = vector.load %arg1[%get3A, %get3A_0] : memref<1024x13xf32, #tpu.memory_space<vmem>>, vector<1024x13xf32>
    %get3A_2 = arith.constant 0 : index
    %get3A_3 = arith.constant 0 : index
    %get3A_4 = vector.load %arg3[%get3A_2, %get3A_3] : memref<13x256xf32, #tpu.memory_space<vmem>>, vector<13x256xf32>
    %dot_general3A = arith.constant dense<0.000000e+00> : vector<1024x256xf32>
    %dot_general3A_5 = tpu.matmul %get3A_1, %get3A_4, %dot_general3A {dimension_numbers = #tpu.dot_dimension_numbers<[1], [0], [0], [1], [0, 0, 1, 1], [], []>, transpose_lhs_hint = false} : vector<1024x13xf32>, vector<13x256xf32>, vector<1024x256xf32> -> vector<1024x256xf32>
    %get3A_6 = arith.constant 0 : index
    %get3A_7 = arith.constant 0 : index
    %get3A_8 = vector.load %arg2[%get3A_6, %get3A_7] : memref<1024x416xf32, #tpu.memory_space<vmem>>, vector<1024x416xf32>
    %get3A_9 = arith.constant 0 : index
    %get3A_10 = arith.constant 0 : index
    %get3A_11 = vector.load %arg4[%get3A_9, %get3A_10] : memref<416x256xf32, #tpu.memory_space<vmem>>, vector<416x256xf32>
    %dot_general3A_12 = arith.constant dense<0.000000e+00> : vector<1024x256xf32>
    %dot_general3A_13 = tpu.matmul %get3A_8, %get3A_11, %dot_general3A_12 {dimension_numbers = #tpu.dot_dimension_numbers<[1], [0], [0], [1], [0, 0, 1, 1], [], []>, transpose_lhs_hint = false} : vector<1024x416xf32>, vector<416x256xf32>, vector<1024x256xf32> -> vector<1024x256xf32>
    %add3A = arith.addf %dot_general3A_5, %dot_general3A_13 : vector<1024x256xf32>
    %get3A_14 = arith.constant 0 : index
    %get3A_15 = arith.constant 0 : index
    %get3A_16 = vector.load %arg5[%get3A_14, %get3A_15] : memref<1x256xf32, #tpu.memory_space<vmem>>, vector<1x256xf32>
    %add3A_17 = vector.broadcast %get3A_16 : vector<1x256xf32> to vector<1024x256xf32>
    %add3A_18 = arith.addf %add3A, %add3A_17 : vector<1024x256xf32>
    %max3A = arith.constant 0.000000e+00 : f32
    %max3A_19 = vector.broadcast %max3A : f32 to vector<1024x256xf32>
    %max3A_20 = arith.maximumf %add3A_18, %max3A_19 : vector<1024x256xf32>
    %get3A_21 = arith.constant 0 : index
    %get3A_22 = arith.constant 0 : index
    %get3A_23 = vector.load %arg6[%get3A_21, %get3A_22] : memref<256x128xf32, #tpu.memory_space<vmem>>, vector<256x128xf32>
    %dot_general3A_24 = arith.constant dense<0.000000e+00> : vector<1024x128xf32>
    %dot_general3A_25 = tpu.matmul %max3A_20, %get3A_23, %dot_general3A_24 {dimension_numbers = #tpu.dot_dimension_numbers<[1], [0], [0], [1], [0, 0, 1, 1], [], []>, transpose_lhs_hint = false} : vector<1024x256xf32>, vector<256x128xf32>, vector<1024x128xf32> -> vector<1024x128xf32>
    %get3A_26 = arith.constant 0 : index
    %get3A_27 = arith.constant 0 : index
    %get3A_28 = vector.load %arg7[%get3A_26, %get3A_27] : memref<1x128xf32, #tpu.memory_space<vmem>>, vector<1x128xf32>
    %add3A_29 = vector.broadcast %get3A_28 : vector<1x128xf32> to vector<1024x128xf32>
    %add3A_30 = arith.addf %dot_general3A_25, %add3A_29 : vector<1024x128xf32>
    %max3A_31 = arith.constant 0.000000e+00 : f32
    %max3A_32 = vector.broadcast %max3A_31 : f32 to vector<1024x128xf32>
    %max3A_33 = arith.maximumf %add3A_30, %max3A_32 : vector<1024x128xf32>
    %get3A_34 = arith.constant 0 : index
    %get3A_35 = arith.constant 0 : index
    %get3A_36 = vector.load %arg8[%get3A_34, %get3A_35] : memref<128x64xf32, #tpu.memory_space<vmem>>, vector<128x64xf32>
    %dot_general3A_37 = arith.constant dense<0.000000e+00> : vector<1024x64xf32>
    %dot_general3A_38 = tpu.matmul %max3A_33, %get3A_36, %dot_general3A_37 {dimension_numbers = #tpu.dot_dimension_numbers<[1], [0], [0], [1], [0, 0, 1, 1], [], []>, transpose_lhs_hint = false} : vector<1024x128xf32>, vector<128x64xf32>, vector<1024x64xf32> -> vector<1024x64xf32>
    %get3A_39 = arith.constant 0 : index
    %get3A_40 = arith.constant 0 : index
    %get3A_41 = vector.load %arg9[%get3A_39, %get3A_40] : memref<1x64xf32, #tpu.memory_space<vmem>>, vector<1x64xf32>
    %add3A_42 = vector.broadcast %get3A_41 : vector<1x64xf32> to vector<1024x64xf32>
    %add3A_43 = arith.addf %dot_general3A_38, %add3A_42 : vector<1024x64xf32>
    %max3A_44 = arith.constant 0.000000e+00 : f32
    %max3A_45 = vector.broadcast %max3A_44 : f32 to vector<1024x64xf32>
    %max3A_46 = arith.maximumf %add3A_43, %max3A_45 : vector<1024x64xf32>
    %get3A_47 = arith.constant 0 : index
    %get3A_48 = arith.constant 0 : index
    %get3A_49 = vector.load %arg10[%get3A_47, %get3A_48] : memref<64x2xf32, #tpu.memory_space<vmem>>, vector<64x2xf32>
    %dot_general3A_50 = arith.constant dense<0.000000e+00> : vector<1024x2xf32>
    %dot_general3A_51 = tpu.matmul %max3A_46, %get3A_49, %dot_general3A_50 {dimension_numbers = #tpu.dot_dimension_numbers<[1], [0], [0], [1], [0, 0, 1, 1], [], []>, transpose_lhs_hint = false} : vector<1024x64xf32>, vector<64x2xf32>, vector<1024x2xf32> -> vector<1024x2xf32>
    %get3A_52 = arith.constant 0 : index
    %get3A_53 = arith.constant 0 : index
    %get3A_54 = vector.load %arg11[%get3A_52, %get3A_53] : memref<1x2xf32, #tpu.memory_space<vmem>>, vector<1x2xf32>
    %add3A_55 = vector.broadcast %get3A_54 : vector<1x2xf32> to vector<1024x2xf32>
    %add3A_56 = arith.addf %dot_general3A_51, %add3A_55 : vector<1024x2xf32>
    %swap3A = arith.constant 0 : index
    %swap3A_57 = arith.constant 0 : index
    %swap3A_58 = vector.load %arg12[%swap3A, %swap3A_57] : memref<1024x2xf32, #tpu.memory_space<vmem>>, vector<1024x2xf32>
    tpu.vector_store %arg12[%swap3A, %swap3A_57], %add3A_56 {strides = array<i32>} : memref<1024x2xf32, #tpu.memory_space<vmem>>, vector<1024x2xf32>,
    return
  }
  func.func @transform_0(%arg0: i32) -> (i32, i32) {
    %c0_i32 = arith.constant 0 : i32
    %c0_i32_0 = arith.constant 0 : i32
    return %arg0, %c0_i32 : i32, i32
  }
  func.func @transform_1(%arg0: i32) -> (i32, i32) {
    %c0_i32 = arith.constant 0 : i32
    %c0_i32_0 = arith.constant 0 : i32
    return %arg0, %c0_i32 : i32, i32
  }
  func.func @transform_2(%arg0: i32) -> (i32, i32) {
    %c0_i32 = arith.constant 0 : i32
    %c0_i32_0 = arith.constant 0 : i32
    %c0_i32_1 = arith.constant 0 : i32
    return %c0_i32, %c0_i32_0 : i32, i32
  }
  func.func @transform_3(%arg0: i32) -> (i32, i32) {
    %c0_i32 = arith.constant 0 : i32
    %c0_i32_0 = arith.constant 0 : i32
    %c0_i32_1 = arith.constant 0 : i32
    return %c0_i32, %c0_i32_0 : i32, i32
  }
  func.func @transform_4(%arg0: i32) -> (i32, i32) {
    %c0_i32 = arith.constant 0 : i32
    %c0_i32_0 = arith.constant 0 : i32
    %c0_i32_1 = arith.constant 0 : i32
    return %c0_i32, %c0_i32_0 : i32, i32
  }
  func.func @transform_5(%arg0: i32) -> (i32, i32) {
    %c0_i32 = arith.constant 0 : i32
    %c0_i32_0 = arith.constant 0 : i32
    %c0_i32_1 = arith.constant 0 : i32
    return %c0_i32, %c0_i32_0 : i32, i32
  }
  func.func @transform_6(%arg0: i32) -> (i32, i32) {
    %c0_i32 = arith.constant 0 : i32
    %c0_i32_0 = arith.constant 0 : i32
    %c0_i32_1 = arith.constant 0 : i32
    return %c0_i32, %c0_i32_0 : i32, i32
  }
  func.func @transform_7(%arg0: i32) -> (i32, i32) {
    %c0_i32 = arith.constant 0 : i32
    %c0_i32_0 = arith.constant 0 : i32
    %c0_i32_1 = arith.constant 0 : i32
    return %c0_i32, %c0_i32_0 : i32, i32
  }
  func.func @transform_8(%arg0: i32) -> (i32, i32) {
    %c0_i32 = arith.constant 0 : i32
    %c0_i32_0 = arith.constant 0 : i32
    %c0_i32_1 = arith.constant 0 : i32
    return %c0_i32, %c0_i32_0 : i32, i32
  }
  func.func @transform_9(%arg0: i32) -> (i32, i32) {
    %c0_i32 = arith.constant 0 : i32
    %c0_i32_0 = arith.constant 0 : i32
    %c0_i32_1 = arith.constant 0 : i32
    return %c0_i32, %c0_i32_0 : i32, i32
  }
  func.func @transform_10(%arg0: i32) -> (i32, i32) {
    %c0_i32 = arith.constant 0 : i32
    %c0_i32_0 = arith.constant 0 : i32
    %c0_i32_1 = arith.constant 0 : i32
    return %c0_i32, %c0_i32_0 : i32, i32
  }
  func.func @transform_11(%arg0: i32) -> (i32, i32) {
    %c0_i32 = arith.constant 0 : i32
    %c0_i32_0 = arith.constant 0 : i32
    return %arg0, %c0_i32 : i32, i32
  }
}

</mosaic_0001>

<sc_bundles>
// kernel: kernel.4.cloned.1.call-start
scs
__scs_entry_jumppad:
0x0: {  	(pc) =	sbr.rel $0x88, $3  }
0x1: {  	(tag) =	ssettag $0x0;
	lr =	simm.s32 $0x1  }
0x2: {  	[smem:$0x3F94] =	sst lr;
	_ =	strace $0xD0000000  }
0x3: {  	_ = 	snop  }
0x4: {  	_ = 	snop  }
0x5: {  	_ = 	snop  }
0x6: {  	_ = 	snop  }
0x7: {  	_ = 	snop  }
__scs_overlays_trampoline_lowered:
0x8: {  	[smem:$0x3FA3] =	sst s0  }
0x9: {  	[smem:$0x3FA4] =	sst s1  }
0xa: {  	[smem:$0x3FA5] =	sst s2  }
0xb: {  	[smem:$0x3FA6] =	sst s3  }
0xc: {  	[smem:$0x3FA7] =	sst s4  }
0xd: {  	[smem:$0x3FA8] =	sst s5  }
0xe: {  	[smem:$0x3FA9] =	sst s6  }
0xf: {  	[smem:$0x3FAA] =	sst s7  }
0x10: {  	[smem:$0x3FAB] =	sst s8  }
0x11: {  	[smem:$0x3FAC] =	sst s9;
	s0 =	simm.s32 @!p0 $0x0  }
0x12: {  	s1 =	sld [smem:$0x3F92];
	s0 =	simm.s32 @p0 $0x1  }
0x13: {  	[smem:$0x3FAD] =	sst s0;
	s0 =	simm.s32 @!p1 $0x0  }
0x14: {  	s2 =	sld [smem:$0x3F91];
	s0 =	simm.s32 @p1 $0x1  }
0x15: {  	[smem:$0x3FAE] =	sst s0;
	s0 =	simm.s32 @!p2 $0x0  }
0x16: {  	s3 =	sld [smem:$0x3FDB];
	s0 =	simm.s32 @p2 $0x1  }
0x17: {  	s4 =	simm.s32 $0x1BF5;
	[smem:$0x3FB0] =	sst s0  }
0x18: {  	s0 =	sld [smem:$0x3F93];
	_ =	swait.ge [sflag:s4], $0x0  }
0x19: {  	s7 =	sld [smem:$0x3F94]  }
0x1a: {  	s8 =	sadd.s32 $0xFFFFE003, lr  }
0x1b: {  	s9 =	sadd.s32 $0xFFFFFEF7, lr;
	s5 =	simm.s32 $0xFFFFFFFF;
	p2 =	slt.u32 s8, $0xFFFFF086  }
0x1c: {  	p1 =	slt.u32 s9, $0xF7A;
	s5 =	simm.s32 @!p2 $0x0  }
0x1d: {  	s5 =	simm.s32 @p1 $0x1;
	p0 =	seq.s32 s7, s2  }
0x1e: {  	s7 =	smul.u32 @!p0 $0xF7A, s2;
	p2 =	seq.s32 @!p0 s5, $0x0  }
0x1f: {  	s9 =	smul.u32 $0xF7A, s1;
	s8 =	simm.s32 @!p0 $0x1BF5;
	p2 =	por !p2, p0  }
0x20: {  	[sflag:s8] =	ssyncset.s32 @!p0 $0xFFFFF086;
	s6 =	sadd.s32 @!p0 s3, s7;
	s7 =	simm.s32 @!p0 $0x108  }
0x21: {  	s3 =	sadd.s32 s3, s9;
	s6 =	sadd.s32 @!p0 $0x88, s6;
	s7 =	simm.s32 @p2 $0x1082  }
0x22: {  	[simem:s7], [sflag:s8] =	dma.local @!p0 [hbm:s6], $0xF7A  }
0x23: {  	s9 =	sor.u32 $0xD0000000, s2;
	s6 =	simm.s32 $0x108;
	_ =	swait.ge @!p0 [sflag:s8], $0x0  }
0x24: {  	s3 =	sadd.s32 $0x88, s3;
	s6 =	simm.s32 @!p1 $0x1082;
	[sflag:s4] =	ssyncset.s32 $0xFFFFF086  }
0x25: {  	[simem:s6], [sflag:s4] =	dma.local [hbm:s3], $0xF7A  }
0x26: {  	[smem:$0x3F94] =	sst s1;
	(tag) =	ssettag s2;
	_ =	strace s9  }
0x27: {  	s1 =	sld [smem:$0x3FA4]  }
0x28: {  	s2 =	sld [smem:$0x3FA5]  }
0x29: {  	s4 =	sld [smem:$0x3FA7]  }
0x2a: {  	p0 =	seq.s32 s5, $0x0;
	s5 =	sld [smem:$0x3FA8]  }
0x2b: {  	s6 =	sld [smem:$0x3FA9]  }
0x2c: {  	s7 =	sld [smem:$0x3FAA]  }
0x2d: {  	s3 =	simm.s32 $0x108;
	s8 =	sld [smem:$0x3FAB]  }
0x2e: {  	s3 =	simm.s32 @!p0 $0x1082;
	s9 =	sld [smem:$0x3FAC]  }
0x2f: {  	lr =	sadd.s32 s0, s3;
	s0 =	sld [smem:$0x3FA3]  }
0x30: {  	s3 =	sld [smem:$0x3FA6]  }
0x31: {  	[smem:$0x3FAF] =	sst s10  }
0x32: {  	s10 =	sld [smem:$0x3FAD];
	_ =	sdelay $0x3  }
0x33: {  	p0 =	seq.s32 s10, $0x1;
	s10 =	sld [smem:$0x3FAF];
	_ =	sdelay $0x3  }
0x34: {  	[smem:$0x3FAF] =	sst s10  }
0x35: {  	s10 =	sld [smem:$0x3FAE];
	_ =	sdelay $0x3  }
0x36: {  	p1 =	seq.s32 s10, $0x1;
	s10 =	sld [smem:$0x3FAF];
	_ =	sdelay $0x3  }
0x37: {  	[smem:$0x3FAF] =	sst s10  }
0x38: {  	s10 =	sld [smem:$0x3FB0]  }
0x39: {  	_ = 	snop;
	(pc) =	sbr.ind lr, $3  }
0x3a: {  	_ = 	snop  }
0x3b: {  	_ = 	snop  }
0x3c: {  	p2 =	seq.s32 s10, $0x1;
	s10 =	sld [smem:$0x3FAF]  }
0x3d: {  	_ =	shalt  }
0x3e: {  	_ =	shalt  }
0x3f: {  	_ =	shalt  }
0x40: {  	_ =	shalt  }
0x41: {  	_ =	shalt  }
0x42: {  	_ =	shalt  }
0x43: {  	_ =	shalt  }
0x44: {  	_ =	shalt  }
0x45: {  	_ =	shalt  }
0x46: {  	_ =	shalt  }
0x47: {  	_ =	shalt  }
0x48: {  	_ =	shalt  }
0x49: {  	_ =	shalt  }
0x4a: {  	_ =	shalt  }
0x4b: {  	_ =	shalt  }
0x4c: {  	_ =	shalt  }
0x4d: {  	_ =	shalt  }
0x4e: {  	_ =	shalt  }
0x4f: {  	_ =	shalt  }
0x50: {  	_ =	shalt  }
0x51: {  	_ =	shalt  }
0x52: {  	_ =	shalt  }
0x53: {  	_ =	shalt  }
0x54: {  	_ =	shalt  }
0x55: {  	_ =	shalt  }
0x56: {  	_ =	shalt  }
0x57: {  	_ =	shalt  }
0x58: {  	_ =	shalt  }
0x59: {  	_ =	shalt  }
0x5a: {  	_ =	shalt  }
0x5b: {  	_ =	shalt  }
0x5c: {  	_ =	shalt  }
0x5d: {  	_ =	shalt  }
0x5e: {  	_ =	shalt  }
0x5f: {  	_ =	shalt  }
0x60: {  	_ =	shalt  }
0x61: {  	_ =	shalt  }
0x62: {  	_ =	shalt  }
0x63: {  	_ =	shalt  }
0x64: {  	_ =	shalt  }
0x65: {  	_ =	shalt  }
0x66: {  	_ =	shalt  }
0x67: {  	_ =	shalt  }
0x68: {  	_ =	shalt  }
0x69: {  	_ =	shalt  }
0x6a: {  	_ =	shalt  }
0x6b: {  	_ =	shalt  }
0x6c: {  	_ =	shalt  }
0x6d: {  	_ =	shalt  }
0x6e: {  	_ =	shalt  }
0x6f: {  	_ =	shalt  }
0x70: {  	_ =	shalt  }
0x71: {  	_ =	shalt  }
0x72: {  	_ =	shalt  }
0x73: {  	_ =	shalt  }
0x74: {  	_ =	shalt  }
0x75: {  	_ =	shalt  }
0x76: {  	_ =	shalt  }
0x77: {  	_ =	shalt  }
0x78: {  	_ =	shalt  }
0x79: {  	_ =	shalt  }
0x7a: {  	_ =	shalt  }
0x7b: {  	_ =	shalt  }
0x7c: {  	_ =	shalt  }
0x7d: {  	_ =	shalt  }
0x7e: {  	_ =	shalt  }
0x7f: {  	_ =	shalt  }
0x80: {  	_ =	shalt  }
0x81: {  	_ =	shalt  }
0x82: {  	_ =	shalt  }
0x83: {  	_ =	shalt  }
0x84: {  	_ =	shalt  }
0x85: {  	_ =	shalt  }
0x86: {  	_ =	shalt  }
0x87: {  	_ =	shalt  }
.Lfunc_end0:
.L_simem_size_0:
called_computation_lowered:
.L_overlay_start_0:
0x88: {  	s2 =	sld [smem:$0x3FD9]  }
0x89: {  	s3 =	sld [smem:$0x3FFE];
	_ =	sdelay $0x1  }
0x8a: {  	s1 =	srdreg.scid  }
0x8b: {  	s0 =	sand.u32 $0x1, s1  }
0x8c: {  	s16 =	sshll.u32 s0, $0xA;
	s2 =	sadd.s32 s3, s2  }
0x8d: {  	s2 =	sadd.s32 s2, s16  }
0x8e: {  	[smem:$0x3FBB] =	sst s2  }
0x8f: {  	_ = 	snop  }
0x90: {  	(tm) =	ssettm $0x1  }
0x91: {  	s17 =	sld [smem:$0x3FFB];
	_ =	sdelay $0x3  }
0x92: {  	_ =	strace s17  }
0x93: {  	s2 =	sld [smem:$0x3FFC];
	_ =	sdelay $0x3  }
0x94: {  	_ =	strace s2  }
0x95: {  	s2 =	sld [smem:$0x3FFD];
	_ =	sdelay $0x3  }
0x96: {  	_ =	strace s2  }
0x97: {  	_ =	strace $0x8FFFFFFF  }
0x98: {  	s18 =	sld [smem:$0x3FDB];
	_ =	sdelay $0x1  }
0x99: {  	s19 =	simm.s32 $_scs_section_size  }
0x9a: {  	s4 =	simm.s32 $_size__tile_overlayer_lowered;
	s5 =	simm.s32 $_tile_overlayer_lowered  }
0x9b: {  	s22 =	simm.s32 $0x1BFF;
	s21 =	sshll.u32 s5, $0x1;
	s2 =	sadd.s32 s19, s18  }
0x9c: {  	s6 =	simm.s32 $0x0;
	s20 =	sshll.u32 s4, $0x1;
	s4 =	sadd.s32 s21, s2  }
0x9d: {  	[timem:s6], [sflag:s22] =	dma.local [hbm:s4], s20  }
0x9e: {  	_ =	swait.ge [sflag:s22], s20  }
0x9f: {  	s3 =	ssub.s32 $0x0, s20;
	[sflag:s22] =	ssyncset.done $0x0  }
0xa0: {  	[sflag:s22] =	ssyncadd.s32 s3;
	_ =	sdelay $0x1  }
0xa1: {  	s23 =	simm.s32 $0x1B8B  }
0xa2: {  	_ =	swait.ge [sflag:s23], $0x1  }
0xa3: {  	[sflag:s23] =	ssyncset.done $0x0  }
0xa4: {  	s25 =	simm.s32 $0x1B8E;
	s24 =	sld [smem:$0x3FFE];
	[sflag:s23] =	ssyncadd.s32 $0xFFFFFFFF  }
0xa5: {  	s26 =	simm.s32 $execute0_lowered;
	[smem:$0x3FD2] =	sst s25  }
0xa6: {  	s4 =	sshll.u32 s26, $0x1;
	_ =	strace $0x80000046;
	[dreg:$0x1] =	wrdreg $0xFFFFFFFF  }
0xa7: {  	s28 =	simm.s32 $_size_execute0_lowered;
	s2 =	sadd.s32 s2, s4;
	[dreg:$0x0] =	wrdreg $0x0  }
0xa8: {  	s4 =	sshll.u32 s28, $0x1;
	[dreg:$0x2] =	wrdreg s2  }
0xa9: {  	[dreg:$0x3] =	wrdreg s4  }
0xaa: {  	[dreg:$0x4] =	wrdreg $0xC0  }
0xab: {  	_ =	task [dreg:s6], $0x5FFFF  }
0xac: {  	[dreg:$0x1] =	wrdreg $0xFFFFFFFF  }
0xad: {  	[dreg:$0x0] =	wrdreg $0x60  }
0xae: {  	[dreg:$0x2] =	wrdreg s24  }
0xaf: {  	[dreg:$0x3] =	wrdreg $0x9  }
0xb0: {  	_ =	task.clear_ibuf [dreg:s6], $0x4FFFF;
	_ =	strace $0x90000046  }
0xb1: {  	s29 =	simm.s32 $0x9;
	_ =	strace $0x80000048  }
0xb2: {  	_ =	swait.ge [sflag:s29], $0x1  }
0xb3: {  	[sflag:s29] =	ssyncadd.s32 $0xFFFFFFFF  }
0xb4: {  	_ =	strace $0x90000048  }
0xb5: {  	_ =	sfence  }
0xb6: {  	s30 =	sld [smem:$0x0];
	_ =	sdelay $0x2  }
0xb7: {  	s31 =	sshll.u32 s1, $0xD;
	s1 =	sshrl.u32 s1, $0x2  }
0xb8: {  	s3 =	sand.u32 $0x4000, s31;
	s1 =	sadd.s32 s1, s30  }
0xb9: {  	s0 =	sor.u32 s3, s0;
	s1 =	sshll.u32 s1, $0x11  }
0xba: {  	s0 =	sor.u32 s1, s0  }
0xbb: {  	s0 =	sadd.s32 $0x8F2B, s0  }
0xbc: {  	[sflag:s0] =	ssyncadd.remote.s32 $0x1  }
0xbd: {  	_ =	sfence.sel $0xFFFF  }
0xbe: {  	[dreg:$0x0] =	wrdreg $0xFFFFFFFF;
	(pc) =	sbr.abs _section_cstart, $3  }
0xbf: {  	[dreg:$0x1] =	wrdreg $0xFFFFFFFF  }
0xc0: {  	_ =	task.clear_ibuf [dreg:s6], $0x2FFFF;
	_ =	strace $0x9FFFFFFF  }
0xc1: {  	(tm) =	ssettm $0x7FFFFFFF  }
tec
execute0_lowered:
.L_overlay_start_1:
0x0: {  	(tag) =	ssettag $0x1  }
0x1: {  	s0 =	srdreg.scid  }
0x2: {  	s6 =	stileid.u32;
	s1 =	rddreg [dreg:$0x0]  }
0x3: {  	s2 =	simm.s32 $0x0;
	s15 =	simm.s32 $0x9;
	s16 =	simm.s32 $0x80  }
0x4: {  	s22 =	simm.s32 $0x4C00;
	s29 =	simm.s32 $0x6400;
	s31 =	simm.s32 $0x6C00  }
0x5: {  	s19 =	simm.s32 $0x3;
	s21 =	simm.s32 $0x4;
	s23 =	simm.s32 $0x5  }
0x6: {  	s28 =	simm.s32 $0x7;
	s30 =	simm.s32 $0x8;
	s5 =	smul.u32 $0x68000, s6  }
0x7: {  	s0 =	sand.u32 $0x1, s0;
	s3 =	sshll.u32 s6, $0x1;
	s6 =	smul.u32 $0x6800, s6  }
0x8: {  	[smem:$0x7FF] =	sst s2;
	s3 =	sor.u32 s0, s3;
	s8 =	smul.u32 $0x3400, s0  }
0x9: {  	_ =	strace $0x80000047;
	s7 =	ssub.s32 $0x2, s0;
	s0 =	smul.u32 $0x34000, s0  }
0xa: {  	s4 =	smul.u32 $0x3400, s3;
	s3 =	sadd.s32 $0x27AD600, s1;
	s24 =	sshrl.u32 s7, $0x1  }
0xb: {  	s25 =	sadd.s32 s8, s6;
	s0 =	sadd.s32 s0, s5;
	s5 =	simm.s32 $0x0  }
0xc: {  	s4 =	sshrl.u32 s4, $0x3;
	s26 =	sshll.u32 s25, $0x1;
	s25 =	simm.s32 $0x6  }
0xd: {  	s4 =	sadd.s32 s4, s1;
	s1 =	sadd.s32 $0xE200, s1;
	s8 =	sor.u32 $0x700, s26  }
0xe: {  	s9 =	sor.u32 $0x600, s26;
	s10 =	sor.u32 $0x500, s26;
	s11 =	sor.u32 $0x400, s26  }
.Ltmp0:
0xf: {  	s12 =	sor.u32 $0x300, s26;
	s13 =	sor.u32 $0x200, s26;
	(pc) =	sbr.rel .LBB2_1-.Ltmp0, $4  }
0x10: {  	s14 =	sor.u32 $0x100, s26;
	s26 =	simm.s32 $0x5C00;
	[dreg:$0x2] =	wrdreg s1  }
0x11: {  	s1 =	ssub.s32 s7, s24;
	s4 =	sadd.s32 $0x1200, s4;
	s7 =	sshrl.u32 s0, $0x3  }
0x12: {  	s24 =	simm.s32 $0x5400;
	[dreg:$0x3] =	wrdreg s4;
	s1 =	smax.u32 s1, $0x1  }
0x13: {  	s0 =	simm.s32 $0x2;
	[dreg:$0x4] =	wrdreg s1;
	s1 =	simm.s32 $0x1  }
.LBB2_4:
0x14: {  	s5 =	rddreg [dreg:$0x5]  }
0x15: {  	s4 =	rddreg [dreg:$0x4];
	s5 =	sadd.s32 $0x1, s5  }
0x16: {  	p0 =	sne.s32 s5, s4  }
.Ltmp1:
0x17: {  	_ = 	snop;
	(pc) =	sbr.rel @!p0 .LBB2_5-.Ltmp1, $1  }
0x18: {  	_ =	sdelay $0x3  }
.LBB2_1:
0x19: {  	[dreg:$0x5] =	wrdreg s5  }
0x1a: {  	s4 =	rddreg [dreg:$0x3]  }
0x1b: {  	[tilespmem:s2], [sflag:$0x9] =	stream.linear.gather [hbm4b:s4+s2], $0x3400, $0x38;
	[tilespmem:$0x7400] =	vst v63  }
0x1c: {  	_ =	swait.ge [sflag:s15], $0x3400  }
0x1d: {  	[sflag:s15] =	ssyncset.done $0x0  }
0x1e: {  	s6 =	simm.s32 $0x3400;
	[sflag:s15] =	ssyncadd.s32 $0xFFFFCC00  }
0x1f: {  	[tilespmem:s6], [sflag:$0x1] =	stream.indirect.gather [hbm4b:s3+s16], $0x10, s2, s16, $0xb8;
	[tilespmem:$0x7400] =	vst v63  }
0x20: {  	s17 =	simm.s32 $0x3C00  }
0x21: {  	[tilespmem:s17], [sflag:$0x2] =	stream.indirect.gather [hbm4b:s3+s16], $0x10, s16, s16, $0xb8;
	[tilespmem:$0x7400] =	vst v63  }
0x22: {  	s18 =	simm.s32 $0x100;
	s20 =	simm.s32 $0x4400  }
0x23: {  	[tilespmem:s20], [sflag:$0x3] =	stream.indirect.gather [hbm4b:s3+s16], $0x10, s18, s16, $0xb8;
	[tilespmem:$0x7400] =	vst v63  }
0x24: {  	s5 =	simm.s32 $0x180  }
0x25: {  	[tilespmem:s22], [sflag:$0x4] =	stream.indirect.gather [hbm4b:s3+s16], $0x10, s5, s16, $0xb8;
	[tilespmem:$0x7400] =	vst v63  }
0x26: {  	s6 =	simm.s32 $0x200  }
0x27: {  	[tilespmem:s24], [sflag:$0x5] =	stream.indirect.gather [hbm4b:s3+s16], $0x10, s6, s16, $0xb8;
	[tilespmem:$0x7400] =	vst v63  }
0x28: {  	s17 =	simm.s32 $0x280  }
0x29: {  	[tilespmem:s26], [sflag:$0x6] =	stream.indirect.gather [hbm4b:s3+s16], $0x10, s17, s16, $0xb8;
	[tilespmem:$0x7400] =	vst v63  }
0x2a: {  	s18 =	simm.s32 $0x300  }
0x2b: {  	[tilespmem:s29], [sflag:$0x7] =	stream.indirect.gather [hbm4b:s3+s16], $0x10, s18, s16, $0xb8;
	[tilespmem:$0x7400] =	vst v63  }
0x2c: {  	s20 =	simm.s32 $0x380;
	s5 =	rddreg [dreg:$0x2];
	s6 =	simm.s32 $0x0  }
0x2d: {  	[tilespmem:s31], [sflag:$0x8] =	stream.indirect.gather [hbm4b:s3+s16], $0x10, s20, s16, $0xb8;
	[tilespmem:$0x7400] =	vst v63  }
.LBB2_2:
0x2e: {  	_ =	swait.ge [sflag:s1], $0x800  }
0x2f: {  	[sflag:s1] =	ssyncset.done $0x0  }
0x30: {  	s4 =	sadd.s32 s5, s7;
	s17 =	simm.s32 $0x3400;
	[sflag:s1] =	ssyncadd.s32 $0xFFFFF800  }
0x31: {  	[hbm4b:s4+s2] =	stream.linear.scatter [tilespmem:s17], [sflag:$0x9], $0x800, $0x38;
	[tilespmem:$0x7400] =	vst v63  }
0x32: {  	p0 =	seq.s32 s6, $0xC000;
	_ =	swait.ge [sflag:s15], $0x800  }
0x33: {  	s20 =	simm.s32 @!p0 $0x3400;
	s4 =	sshra.s32 @!p0 s6, $0x2;
	[sflag:s15] =	ssyncset.done $0x0  }
0x34: {  	s17 =	simm.s32 @!p0 $0x80;
	s18 =	sadd.s32 @!p0 $0x400, s4;
	[sflag:s15] =	ssyncadd.s32 $0xFFFFF800  }
0x35: {  	[tilespmem:s20], [sflag:$0x1] =	stream.indirect.gather @!p0 [hbm4b:s3+s17], $0x10, s18, s17, $0xb8;
	[tilespmem:$0x7400] =	vst v63  }
0x36: {  	_ =	swait.ge [sflag:s0], $0x800  }
0x37: {  	[sflag:s0] =	ssyncset.done $0x0  }
0x38: {  	s18 =	sadd.s32 s5, s14;
	s20 =	simm.s32 $0x3C00;
	[sflag:s0] =	ssyncadd.s32 $0xFFFFF800  }
0x39: {  	[hbm4b:s18+s2] =	stream.linear.scatter [tilespmem:s20], [sflag:$0x9], $0x800, $0x38;
	[tilespmem:$0x7400] =	vst v63  }
0x3a: {  	_ =	swait.ge [sflag:s15], $0x800  }
0x3b: {  	[sflag:s15] =	ssyncset.done $0x0  }
0x3c: {  	s18 =	sadd.s32 @!p0 $0x480, s4;
	s20 =	simm.s32 @!p0 $0x3C00;
	[sflag:s15] =	ssyncadd.s32 $0xFFFFF800  }
0x3d: {  	[tilespmem:s20], [sflag:$0x2] =	stream.indirect.gather @!p0 [hbm4b:s3+s17], $0x10, s18, s17, $0xb8;
	[tilespmem:$0x7400] =	vst v63  }
0x3e: {  	_ =	swait.ge [sflag:s19], $0x800  }
0x3f: {  	[sflag:s19] =	ssyncset.done $0x0  }
0x40: {  	s18 =	sadd.s32 s5, s13;
	s20 =	simm.s32 $0x4400;
	[sflag:s19] =	ssyncadd.s32 $0xFFFFF800  }
0x41: {  	[hbm4b:s18+s2] =	stream.linear.scatter [tilespmem:s20], [sflag:$0x9], $0x800, $0x38;
	[tilespmem:$0x7400] =	vst v63  }
0x42: {  	_ =	swait.ge [sflag:s15], $0x800  }
0x43: {  	[sflag:s15] =	ssyncset.done $0x0  }
0x44: {  	s18 =	sadd.s32 @!p0 $0x500, s4;
	s20 =	simm.s32 @!p0 $0x4400;
	[sflag:s15] =	ssyncadd.s32 $0xFFFFF800  }
0x45: {  	[tilespmem:s20], [sflag:$0x3] =	stream.indirect.gather @!p0 [hbm4b:s3+s17], $0x10, s18, s17, $0xb8;
	[tilespmem:$0x7400] =	vst v63  }
0x46: {  	_ =	swait.ge [sflag:s21], $0x800  }
0x47: {  	[sflag:s21] =	ssyncset.done $0x0  }
0x48: {  	s20 =	sadd.s32 s5, s12;
	[sflag:s21] =	ssyncadd.s32 $0xFFFFF800  }
0x49: {  	[hbm4b:s20+s2] =	stream.linear.scatter [tilespmem:s22], [sflag:$0x9], $0x800, $0x38;
	[tilespmem:$0x7400] =	vst v63  }
0x4a: {  	_ =	swait.ge [sflag:s15], $0x800  }
0x4b: {  	[sflag:s15] =	ssyncset.done $0x0  }
0x4c: {  	s18 =	sadd.s32 @!p0 $0x580, s4;
	s20 =	simm.s32 @!p0 $0x4C00;
	[sflag:s15] =	ssyncadd.s32 $0xFFFFF800  }
0x4d: {  	[tilespmem:s20], [sflag:$0x4] =	stream.indirect.gather @!p0 [hbm4b:s3+s17], $0x10, s18, s17, $0xb8;
	[tilespmem:$0x7400] =	vst v63  }
0x4e: {  	_ =	swait.ge [sflag:s23], $0x800  }
0x4f: {  	[sflag:s23] =	ssyncset.done $0x0  }
0x50: {  	s20 =	sadd.s32 s5, s11;
	[sflag:s23] =	ssyncadd.s32 $0xFFFFF800  }
0x51: {  	[hbm4b:s20+s2] =	stream.linear.scatter [tilespmem:s24], [sflag:$0x9], $0x800, $0x38;
	[tilespmem:$0x7400] =	vst v63  }
0x52: {  	_ =	swait.ge [sflag:s15], $0x800  }
0x53: {  	[sflag:s15] =	ssyncset.done $0x0  }
0x54: {  	s18 =	sadd.s32 @!p0 $0x600, s4;
	s20 =	simm.s32 @!p0 $0x5400;
	[sflag:s15] =	ssyncadd.s32 $0xFFFFF800  }
0x55: {  	[tilespmem:s20], [sflag:$0x5] =	stream.indirect.gather @!p0 [hbm4b:s3+s17], $0x10, s18, s17, $0xb8;
	[tilespmem:$0x7400] =	vst v63  }
0x56: {  	_ =	swait.ge [sflag:s25], $0x800  }
0x57: {  	[sflag:s25] =	ssyncset.done $0x0  }
0x58: {  	s20 =	sadd.s32 s5, s10;
	[sflag:s25] =	ssyncadd.s32 $0xFFFFF800  }
0x59: {  	[hbm4b:s20+s2] =	stream.linear.scatter [tilespmem:s26], [sflag:$0x9], $0x800, $0x38;
	[tilespmem:$0x7400] =	vst v63  }
0x5a: {  	_ =	swait.ge [sflag:s15], $0x800  }
0x5b: {  	[sflag:s15] =	ssyncset.done $0x0  }
0x5c: {  	s18 =	sadd.s32 @!p0 $0x680, s4;
	s20 =	simm.s32 @!p0 $0x5C00;
	[sflag:s15] =	ssyncadd.s32 $0xFFFFF800  }
0x5d: {  	[tilespmem:s20], [sflag:$0x6] =	stream.indirect.gather @!p0 [hbm4b:s3+s17], $0x10, s18, s17, $0xb8;
	[tilespmem:$0x7400] =	vst v63  }
0x5e: {  	_ =	swait.ge [sflag:s28], $0x800  }
0x5f: {  	[sflag:s28] =	ssyncset.done $0x0  }
0x60: {  	s20 =	sadd.s32 s5, s9;
	[sflag:s28] =	ssyncadd.s32 $0xFFFFF800  }
0x61: {  	[hbm4b:s20+s2] =	stream.linear.scatter [tilespmem:s29], [sflag:$0x9], $0x800, $0x38;
	[tilespmem:$0x7400] =	vst v63  }
0x62: {  	_ =	swait.ge [sflag:s15], $0x800  }
0x63: {  	[sflag:s15] =	ssyncset.done $0x0  }
0x64: {  	s4 =	sadd.s32 @!p0 $0x700, s4;
	s18 =	simm.s32 @!p0 $0x6400;
	[sflag:s15] =	ssyncadd.s32 $0xFFFFF800  }
0x65: {  	[tilespmem:s18], [sflag:$0x7] =	stream.indirect.gather @!p0 [hbm4b:s3+s17], $0x10, s4, s17, $0xb8;
	[tilespmem:$0x7400] =	vst v63  }
0x66: {  	_ =	swait.ge [sflag:s30], $0x800  }
0x67: {  	[sflag:s30] =	ssyncset.done $0x0  }
.Ltmp2:
0x68: {  	s20 =	sadd.s32 s5, s8;
	[sflag:s30] =	ssyncadd.s32 $0xFFFFF800;
	(pc) =	sbr.rel @p0 .LBB2_4-.Ltmp2, $4  }
0x69: {  	[hbm4b:s20+s2] =	stream.linear.scatter [tilespmem:s31], [sflag:$0x9], $0x800, $0x38;
	[tilespmem:$0x7400] =	vst v63  }
0x6a: {  	_ =	swait.ge [sflag:s15], $0x800  }
0x6b: {  	[sflag:s15] =	ssyncset.done $0x0  }
0x6c: {  	[sflag:s15] =	ssyncadd.s32 $0xFFFFF800  }
.Ltmp3:
0x6d: {  	(pc) =	sbr.rel .LBB2_2-.Ltmp3, $4  }
0x6e: {  	_ = 	snop  }
0x6f: {  	s4 =	sshra.s32 s6, $0x2  }
0x70: {  	s6 =	sadd.s32 $0x1000, s6;
	s5 =	sadd.s32 $0x800, s5;
	s4 =	sadd.s32 $0x780, s4  }
0x71: {  	[tilespmem:s31], [sflag:$0x8] =	stream.indirect.gather [hbm4b:s3+s16], $0x10, s4, s16, $0xb8;
	[tilespmem:$0x7400] =	vst v63  }
.LBB2_5:
0x72: {  	_ =	sfence.sel $0x180000  }
0x73: {  	[bflag:$0x0] =	sbarrier.arrive $0xFFFF  }
0x74: {  	_ =	strace $0x90000047  }
0x75: {  	s0 =	stileid.u32;
	[bflag:$0x2] =	sbarrier.arrive $0xFFFF  }
0x76: {  	p0 =	sne.s32 s0, $0x0;
	s0 =	rddreg [dreg:$0x1]  }
0x77: {  	s0 =	sadd.s32 @!p0 $0x100000, s0  }
0x78: {  	[sflag:s0] =	ssyncadd.tile.s32 @!p0 $0x1;
	_ =	shalt  }
.Lfunc_end2:
_tile_overlayer_lowered:
.L_overlay_start_2:
0x79: {  	(tag) =	ssettag $0x2  }
0x7a: {  	s0 =	rddreg [dreg:$0x0];
	s2 =	stileid.u32  }
0x7b: {  	s1 =	rddreg [dreg:$0x1];
	p0 =	sne.s32 s2, $0x0  }
0x7c: {  	s3 =	rddreg [dreg:$0x2];
	[bflag:$0x3] =	sbarrier.arrive $0xFFFF;
	s2 =	simm.s32 @!p0 $0x1C09  }
0x7d: {  	[timem:s3], [sflag:s2] =	dma.local @!p0 [hbm:s0], s1  }
0x7e: {  	s0 =	simm.s32 @!p0 $0x9  }
0x7f: {  	_ =	swait.ge @!p0 [sflag:s0], s1  }
0x80: {  	s1 =	ssub.s32 @!p0 $0x0, s1;
	[sflag:s0] =	ssyncset.done @!p0 $0x0  }
0x81: {  	[sflag:s0] =	ssyncadd.s32 @!p0 s1  }
0x82: {  	[bflag:$0x3] =	sbarrier.arrive $0xFFFF  }
0x83: {  	_ =	shalt  }

</sc_bundles>
